<compile_context>
chip_gen: v7x
topology: tpu7x:2x2x1
jax: 0.10.2.dev20260603
libtpu: 0.0.44.dev20260713+nightly
codegen_flags: <defaults>
</compile_context>

<pallas_src>
import functools
import jax
import jax.numpy as jnp
from jax import lax
from jax.experimental import pallas as pl
from jax.experimental.pallas import tpu as pltpu
from jax.experimental.pallas import tpu_sc as plsc

_B, _Q, _T, _C, _K = 16, 900, 256, 80, 300
_CP = 128
_N = _Q * _C
_ONE_BITS = 0x3F800001
_NW = 32
_HROWS = _Q // 2
_HLEN = _HROWS * _CP
_CAP = 320
_S2 = 2 * _CAP


def _iotaf(shape, dim):
    return lax.broadcasted_iota(jnp.int32, shape, dim).astype(jnp.float32)


def _hp(a, b, dims):
    return lax.dot_general(a, b, (dims, ((), ())),
                           preferred_element_type=jnp.float32,
                           precision=lax.Precision.HIGHEST)



def _tc1_kernel(logits_ref, pmap_ref, prob_ref, vk_ref, j_ref):
    f32 = jnp.float32
    pm = pmap_ref[...]
    sums = jnp.sum(pm, axis=1, keepdims=True)
    safe = jnp.where(sums == 0.0, 1.0, sums)
    pmn = jnp.where(sums != 0.0, pm / safe, pm)
    pmnp = jnp.concatenate([pmn, jnp.zeros((_CP - _C, _T), f32)], axis=0)
    sig = jax.nn.sigmoid(logits_ref[...].reshape(_Q, _T))
    prob = lax.dot_general(sig, pmnp, (((1,), (1,)), ((), ())),
                           preferred_element_type=f32)
    lane = lax.broadcasted_iota(jnp.int32, (_Q, _CP), 1)
    row = lax.broadcasted_iota(jnp.int32, (_Q, _CP), 0)
    w = jnp.where(lane < _C, prob, -1.0)
    fi = row * _C + lane

    i16 = jnp.int16
    wbits = lax.bitcast_convert_type(w, jnp.int32)
    hi16 = (wbits >> 16).astype(i16)

    def cnt16(cond):
        part = jnp.sum(cond.astype(i16), axis=0, keepdims=True)
        return jnp.sum(part.astype(f32))

    def bisA(_, lohi):
        lo, hi = lohi
        mid = lo + (hi - lo) // 2
        cnt = cnt16(hi16 >= mid.astype(i16))
        big = cnt >= float(_K)
        return jnp.where(big, mid, lo), jnp.where(big, hi, mid)

    lo16, _hiA = lax.fori_loop(0, 14, bisA,
                               (jnp.int32(0), jnp.int32(0x3F81)))
    c_above = cnt16(hi16 > lo16.astype(i16))
    eqp = hi16 == lo16.astype(i16)
    lwp = ((wbits & 0xFFFF) ^ 0x8000).astype(i16)

    def bisB(_, lohi):
        lo, hi = lohi
        mid = lo + (hi - lo) // 2
        m16 = (mid ^ 0x8000).astype(i16)
        cnt = c_above + cnt16(eqp & (lwp >= m16))
        big = cnt >= float(_K)
        return jnp.where(big, mid, lo), jnp.where(big, hi, mid)

    loB, _hiB = lax.fori_loop(0, 16, bisB,
                              (jnp.int32(0), jnp.int32(0x10000)))
    vk = lax.bitcast_convert_type((lo16 << 16) | loB, f32)
    m = jnp.sum((w > vk).astype(f32))
    r = float(_K) - m

    def bis2(_, lohi):
        lo2, hi2 = lohi
        mid2 = lo2 + (hi2 - lo2) // 2
        cnt2 = jnp.sum(((w == vk) & (fi < mid2)).astype(f32))
        big = cnt2 >= r
        return jnp.where(big, lo2, mid2), jnp.where(big, mid2, hi2)

    total_eq = jnp.sum((w == vk).astype(f32))

    def run_bis2(_):
        _lo2, jv = lax.fori_loop(0, 17, bis2, (jnp.int32(0), jnp.int32(_N)))
        return jv

    j = lax.cond(total_eq > r, run_bis2, lambda _: jnp.int32(_N), None)

    prob_ref[...] = w.reshape(1, _Q, _CP)
    vk_ref[...] = jnp.full((1, 2, 16), vk, f32)
    j_ref[...] = jnp.full((1, 2, 16), j, jnp.int32)


def _tc1(pred_logits, positive_map):
    return pl.pallas_call(
        _tc1_kernel,
        grid=(_B,),
        in_specs=[
            pl.BlockSpec((1, _Q, _T), lambda b: (b, 0, 0)),
            pl.BlockSpec((_C, _T), lambda b: (0, 0)),
        ],
        out_specs=[
            pl.BlockSpec((1, _Q, _CP), lambda b: (b, 0, 0)),
            pl.BlockSpec((1, 2, 16), lambda b: (b, 0, 0)),
            pl.BlockSpec((1, 2, 16), lambda b: (b, 0, 0)),
        ],
        out_shape=[
            jax.ShapeDtypeStruct((_B, _Q, _CP), jnp.float32),
            jax.ShapeDtypeStruct((_B, 2, 16), jnp.float32),
            jax.ShapeDtypeStruct((_B, 2, 16), jnp.int32),
        ],
    )(pred_logits, positive_map)



def _sc_compact_kernel(prob_hbm, vk_hbm, j_hbm, svals_hbm, sflat_hbm,
                       pv, valbuf, flatbuf, vkv, jv):
    i32 = jnp.int32
    wid = lax.axis_index("s") * 2 + lax.axis_index("c")
    h = wid % 2
    pltpu.sync_copy(prob_hbm.at[wid], pv)
    pltpu.sync_copy(vk_hbm.at[wid], vkv)
    pltpu.sync_copy(j_hbm.at[wid], jv)
    vkvec = vkv[...]
    jvec = jv[...]
    lanes = lax.broadcasted_iota(i32, (16,), 0)

    def body(q, ptr):
        p = ptr
        for k in range(5):
            v = pv[pl.ds(q * _CP + k * 16, 16)]
            fl = (h * _HROWS + q) * _C + k * 16 + lanes
            msk = (v > vkvec) | ((v == vkvec) & (fl < jvec))
            key = jnp.where(msk, fl, jnp.int32(0x7FFFFFFF))
            _k1, vv = plsc.sort_key_val(key, v)
            _k2, ff = plsc.sort_key_val(key, fl)
            valbuf[pl.ds(p, 16)] = vv
            flatbuf[pl.ds(p, 16)] = ff
            cntv = plsc.all_reduce_population_count(msk)
            p = p + cntv[0]
        return p

    pend = lax.fori_loop(0, _HROWS, body, jnp.int32(0))

    def fill(i, _):
        slot = i * 16 + lanes
        keep = slot < pend
        cv = valbuf[pl.ds(i * 16, 16)]
        cf = flatbuf[pl.ds(i * 16, 16)]
        valbuf[pl.ds(i * 16, 16)] = jnp.where(keep, cv, -1.0)
        flatbuf[pl.ds(i * 16, 16)] = jnp.where(keep, cf, _N + h * _CAP + slot)
        return 0

    lax.fori_loop(0, _CAP // 16, fill, 0)
    pltpu.sync_copy(valbuf, svals_hbm.at[wid])
    pltpu.sync_copy(flatbuf, sflat_hbm.at[wid])


def _sc_compact(prob2, vk2, j2):
    run = pl.kernel(
        _sc_compact_kernel,
        mesh=plsc.VectorSubcoreMesh(core_axis_name="c", subcore_axis_name="s"),
        compiler_params=pltpu.CompilerParams(needs_layout_passes=False),
        out_type=[
            jax.ShapeDtypeStruct((_NW, _CAP), jnp.float32),
            jax.ShapeDtypeStruct((_NW, _CAP), jnp.int32),
        ],
        scratch_types=[
            pltpu.VMEM((_HLEN,), jnp.float32),
            pltpu.VMEM((_CAP,), jnp.float32),
            pltpu.VMEM((_CAP,), jnp.int32),
            pltpu.VMEM((16,), jnp.float32),
            pltpu.VMEM((16,), jnp.int32),
        ],
    )
    return run(prob2, vk2, j2)



def _tc2_kernel(svals_ref, sflat_ref, boxes_ref, ts_ref,
                scores_ref, labels_ref, boxes_out_ref):
    f32 = jnp.float32
    vrow = svals_ref[...].reshape(1, _S2)
    frow = sflat_ref[...].astype(f32).reshape(1, _S2)
    eye = (lax.broadcasted_iota(jnp.int32, (_S2, _S2), 0) ==
           lax.broadcasted_iota(jnp.int32, (_S2, _S2), 1))
    vcol = jnp.sum(jnp.where(eye, vrow, 0.0), axis=1, keepdims=True)
    fcol = jnp.sum(jnp.where(eye, frow, 0.0), axis=1, keepdims=True)
    better = (vrow > vcol) | ((vrow == vcol) & (frow < fcol))
    rank = jnp.sum(better.astype(f32), axis=1, keepdims=True)
    scat = rank == _iotaf((_S2, _S2), 1)
    scores_row = jnp.sum(jnp.where(scat, vcol, 0.0), axis=0, keepdims=True)
    flat_sorted_row = jnp.sum(jnp.where(scat, fcol, 0.0), axis=0, keepdims=True)
    scores_ref[...] = scores_row[:, :_K].reshape(1, 1, _K)
    labels_ref[...] = (flat_sorted_row.astype(jnp.int32) % _C)[:, :_K].reshape(1, 1, _K)

    flat_sorted_col = jnp.sum(jnp.where(eye, flat_sorted_row, 0.0),
                              axis=1, keepdims=True)
    qs = (flat_sorted_col.astype(jnp.int32) // _C).astype(f32)
    bsel = (qs == _iotaf((_S2, _Q), 1)).astype(f32)
    bx = boxes_ref[...].reshape(_Q, 4)
    cx, cy, bw, bh = bx[:, 0:1], bx[:, 1:2], bx[:, 2:3], bx[:, 3:4]
    hf = ts_ref[0, 0, 0].astype(f32)
    wf = ts_ref[0, 0, 1].astype(f32)
    bscaled = jnp.concatenate(
        [(cx - 0.5 * bw) * wf, (cy - 0.5 * bh) * hf,
         (cx + 0.5 * bw) * wf, (cy + 0.5 * bh) * hf], axis=1)
    boxes_sorted = _hp(bsel, bscaled, ((1,), (0,)))
    boxes_out_ref[...] = boxes_sorted[:_K, :].reshape(1, _K, 4)


def _tc2(svals, sflat, pred_boxes, ts3):
    return pl.pallas_call(
        _tc2_kernel,
        grid=(_B,),
        in_specs=[
            pl.BlockSpec((1, 1, _S2), lambda b: (b, 0, 0)),
            pl.BlockSpec((1, 1, _S2), lambda b: (b, 0, 0)),
            pl.BlockSpec((1, _Q, 4), lambda b: (b, 0, 0)),
            pl.BlockSpec((1, 1, 2), lambda b: (b, 0, 0), memory_space=pltpu.SMEM),
        ],
        out_specs=[
            pl.BlockSpec((1, 1, _K), lambda b: (b, 0, 0)),
            pl.BlockSpec((1, 1, _K), lambda b: (b, 0, 0)),
            pl.BlockSpec((1, _K, 4), lambda b: (b, 0, 0)),
        ],
        out_shape=[
            jax.ShapeDtypeStruct((_B, 1, _K), jnp.float32),
            jax.ShapeDtypeStruct((_B, 1, _K), jnp.int32),
            jax.ShapeDtypeStruct((_B, _K, 4), jnp.float32),
        ],
    )(svals, sflat, pred_boxes, ts3)


def kernel(pred_logits, pred_boxes, positive_map, target_sizes):
    w_all, vkb, jb = _tc1(pred_logits, positive_map)
    prob2 = w_all.reshape(_NW, _HLEN)
    svals, sflat = _sc_compact(prob2, vkb.reshape(_NW, 16), jb.reshape(_NW, 16))
    scores, labels, boxes = _tc2(svals.reshape(_B, 1, _S2),
                                 sflat.reshape(_B, 1, _S2),
                                 pred_boxes, target_sizes.reshape(_B, 1, 2))
    return scores.reshape(_B, _K), labels.reshape(_B, _K), boxes

# --- scband reference (transcript-rebuilt; emitter-appended) ---
"""Pipeline reference for scband-post-process-54795192763143 (READ-ONLY COPY).

The authoritative reference and input builder live on the scoring server;
editing this copy changes nothing except your own understanding.
"""

import jax, jax.numpy as jnp
import numpy as np

B, Q, T, C, K = 16, 900, 256, 80, 300


def setup_inputs(seed: int = 0) -> dict:
    key = jax.random.key(seed)
    k1, k2, k3, k4 = jax.random.split(key, 4)
    pred_logits = jax.random.normal(k1, (B, Q, T), dtype=jnp.float32)
    # cxcywh boxes in normalized coords
    pred_boxes = jax.random.uniform(k2, (B, Q, 4), dtype=jnp.float32, minval=0.05, maxval=0.5)
    # binary positive map: class -> token positions (tokenizer stand-in)
    positive_map = (jax.random.uniform(k3, (C, T)) < 0.03).astype(jnp.float32)
    target_sizes = jax.random.randint(k4, (B, 2), 480, 1334).astype(jnp.int32)
    return {
        "pred_logits": pred_logits,
        "pred_boxes": pred_boxes,
        "positive_map": positive_map,
        "target_sizes": target_sizes,
    }


def _box_cxcywh_to_xyxy(b):
    cx, cy, w, h = b[..., 0:1], b[..., 1:2], b[..., 2:3], b[..., 3:4]
    return jnp.concatenate([cx - 0.5 * w, cy - 0.5 * h, cx + 0.5 * w, cy + 0.5 * h], axis=-1)


def reference(pred_logits, pred_boxes, positive_map, target_sizes):
    prob_to_token = jax.nn.sigmoid(pred_logits)                      # [B,Q,T]
    sums = positive_map.sum(axis=1, keepdims=True)                   # [C,1]
    safe = jnp.where(sums == 0, 1.0, sums)
    pos_maps = jnp.where(sums != 0, positive_map / safe, positive_map)
    prob = prob_to_token @ pos_maps.T                                # [B,Q,C]
    flat = prob.reshape(prob.shape[0], -1)                           # [B,Q*C]
    scores, topk_indexes = jax.lax.top_k(flat, K)                    # [B,K]
    topk_boxes = topk_indexes // prob.shape[2]                       # query index
    labels = topk_indexes % prob.shape[2]                            # class index
    boxes_xyxy = _box_cxcywh_to_xyxy(pred_boxes)                     # [B,Q,4]
    boxes = jnp.take_along_axis(boxes_xyxy, topk_boxes[:, :, None], axis=1)  # [B,K,4]
    ts = target_sizes.astype(jnp.float32)
    img_h, img_w = ts[:, 0], ts[:, 1]
    scale_fct = jnp.stack([img_w, img_h, img_w, img_h], axis=1)      # [B,4]
    boxes = boxes * scale_fct[:, None, :]
    return scores, labels, boxes

if __name__ == "__main__":
    import jax
    _d = setup_inputs()
    print(jax.jit(kernel)(*tuple(_d.values())))

</pallas_src>

<mosaic_0001>
#map = affine_map<(d0, d1) -> (0, 0)>
module attributes {stable_mosaic.version = 14 : i64} {
  func.func @_sc_compact_kernel(%arg0: i32, %arg1: i32, %arg2: memref<32x57600xf32, #tpu.memory_space<hbm>>, %arg3: memref<32x16xf32, #tpu.memory_space<hbm>>, %arg4: memref<32x16xi32, #tpu.memory_space<hbm>>, %arg5: memref<32x320xf32, #tpu.memory_space<hbm>>, %arg6: memref<32x320xi32, #tpu.memory_space<hbm>>, %arg7: memref<57600xf32, #tpu.memory_space<vmem>>, %arg8: memref<320xf32, #tpu.memory_space<vmem>>, %arg9: memref<320xi32, #tpu.memory_space<vmem>>, %arg10: memref<16xf32, #tpu.memory_space<vmem>>, %arg11: memref<16xi32, #tpu.memory_space<vmem>>) attributes {dimension_semantics = [#tpu.dimension_semantics<core_parallel>, #tpu.dimension_semantics<subcore_parallel>], iteration_bounds = array<i64: 2, 16>, scalar_prefetch = 0 : i64, scratch_operands = 5 : i64, tpu.core_type = #tpu.core_type<sc_vector_subcore>, window_params = [{transform_indices = #map}, {transform_indices = #map}, {transform_indices = #map}, {transform_indices = #map}, {transform_indices = #map}]} {
    %mul3A = arith.constant 2 : i32
    %mul3A_0 = arith.muli %arg1, %mul3A : i32
    %add3A = arith.addi %mul3A_0, %arg0 : i32
    %jit3A = arith.constant 2 : i32
    %eq3A = arith.constant 0 : i32
    %eq3A_1 = arith.cmpi eq, %jit3A, %eq3A : i32
    %jit3A_2 = arith.constant 1 : i32
    %select_n3A = arith.select %eq3A_1, %jit3A_2, %jit3A : i32
    %rem3A = arith.remsi %add3A, %select_n3A : i32
    %ne3A = arith.constant 0 : i32
    %ne3A_3 = arith.cmpi ne, %rem3A, %ne3A : i32
    %lt3A = arith.constant 0 : i32
    %lt3A_4 = arith.cmpi slt, %rem3A, %lt3A : i32
    %lt3A_5 = arith.constant 0 : i32
    %lt3A_6 = arith.cmpi slt, %select_n3A, %lt3A_5 : i32
    %ne3A_7 = arith.xori %lt3A_4, %lt3A_6 : i1
    %and3A = arith.andi %ne3A_7, %ne3A_3 : i1
    %add3A_8 = arith.addi %rem3A, %select_n3A : i32
    %select_n3A_9 = arith.select %and3A, %add3A_8, %rem3A : i32
    "tpu.region"() ({
      %run_scoped3A = tpu.sem_alloc : memref<!tpu.dma_semaphore, #tpu.memory_space<semaphore_mem>>
      %dma_start3A = arith.constant 0 : i32
      %dma_start3A_26 = tpu.memref_slice %arg2[%add3A, %dma_start3A] : memref<32x57600xf32, #tpu.memory_space<hbm>> -> memref<1x57600xf32, #tpu.memory_space<hbm>>
      %dma_start3A_27 = tpu.memref_squeeze %dma_start3A_26 : memref<1x57600xf32, #tpu.memory_space<hbm>> -> memref<57600xf32, #tpu.memory_space<hbm>>
      %dma_start3A_28 = arith.constant 0 : i32
      %dma_start3A_29 = tpu.memref_slice %arg2[%add3A, %dma_start3A_28] : memref<32x57600xf32, #tpu.memory_space<hbm>> -> memref<1x57600xf32, #tpu.memory_space<hbm>>
      %dma_start3A_30 = tpu.memref_squeeze %dma_start3A_29 : memref<1x57600xf32, #tpu.memory_space<hbm>> -> memref<57600xf32, #tpu.memory_space<hbm>>
      tpu.enqueue_dma source(%dma_start3A_30 : memref<57600xf32, #tpu.memory_space<hbm>>) target(%arg7 : memref<57600xf32, #tpu.memory_space<vmem>>) target_semaphore(%run_scoped3A : memref<!tpu.dma_semaphore, #tpu.memory_space<semaphore_mem>>)
      %dma_wait3A = arith.constant 0 : i32
      %dma_wait3A_31 = tpu.memref_slice %arg2[%add3A, %dma_wait3A] : memref<32x57600xf32, #tpu.memory_space<hbm>> -> memref<1x57600xf32, #tpu.memory_space<hbm>>
      %dma_wait3A_32 = tpu.memref_squeeze %dma_wait3A_31 : memref<1x57600xf32, #tpu.memory_space<hbm>> -> memref<57600xf32, #tpu.memory_space<hbm>>
      %dma_wait3A_33 = arith.constant 0 : i32
      %dma_wait3A_34 = tpu.memref_slice %arg2[%add3A, %dma_wait3A_33] : memref<32x57600xf32, #tpu.memory_space<hbm>> -> memref<1x57600xf32, #tpu.memory_space<hbm>>
      %dma_wait3A_35 = tpu.memref_squeeze %dma_wait3A_34 : memref<1x57600xf32, #tpu.memory_space<hbm>> -> memref<57600xf32, #tpu.memory_space<hbm>>
      tpu.wait_dma2 semaphore(%run_scoped3A : memref<!tpu.dma_semaphore, #tpu.memory_space<semaphore_mem>>) src(%dma_wait3A_35 : memref<57600xf32, #tpu.memory_space<hbm>>) dst(%arg7 : memref<57600xf32, #tpu.memory_space<vmem>>)
      tpu.yield
    }) : () -> ()
    "tpu.region"() ({
      %run_scoped3A = tpu.sem_alloc : memref<!tpu.dma_semaphore, #tpu.memory_space<semaphore_mem>>
      %dma_start3A = arith.constant 0 : i32
      %dma_start3A_26 = tpu.memref_slice %arg3[%add3A, %dma_start3A] : memref<32x16xf32, #tpu.memory_space<hbm>> -> memref<1x16xf32, #tpu.memory_space<hbm>>
      %dma_start3A_27 = tpu.memref_squeeze %dma_start3A_26 : memref<1x16xf32, #tpu.memory_space<hbm>> -> memref<16xf32, #tpu.memory_space<hbm>>
      %dma_start3A_28 = arith.constant 0 : i32
      %dma_start3A_29 = tpu.memref_slice %arg3[%add3A, %dma_start3A_28] : memref<32x16xf32, #tpu.memory_space<hbm>> -> memref<1x16xf32, #tpu.memory_space<hbm>>
      %dma_start3A_30 = tpu.memref_squeeze %dma_start3A_29 : memref<1x16xf32, #tpu.memory_space<hbm>> -> memref<16xf32, #tpu.memory_space<hbm>>
      tpu.enqueue_dma source(%dma_start3A_30 : memref<16xf32, #tpu.memory_space<hbm>>) target(%arg10 : memref<16xf32, #tpu.memory_space<vmem>>) target_semaphore(%run_scoped3A : memref<!tpu.dma_semaphore, #tpu.memory_space<semaphore_mem>>)
      %dma_wait3A = arith.constant 0 : i32
      %dma_wait3A_31 = tpu.memref_slice %arg3[%add3A, %dma_wait3A] : memref<32x16xf32, #tpu.memory_space<hbm>> -> memref<1x16xf32, #tpu.memory_space<hbm>>
      %dma_wait3A_32 = tpu.memref_squeeze %dma_wait3A_31 : memref<1x16xf32, #tpu.memory_space<hbm>> -> memref<16xf32, #tpu.memory_space<hbm>>
      %dma_wait3A_33 = arith.constant 0 : i32
      %dma_wait3A_34 = tpu.memref_slice %arg3[%add3A, %dma_wait3A_33] : memref<32x16xf32, #tpu.memory_space<hbm>> -> memref<1x16xf32, #tpu.memory_space<hbm>>
      %dma_wait3A_35 = tpu.memref_squeeze %dma_wait3A_34 : memref<1x16xf32, #tpu.memory_space<hbm>> -> memref<16xf32, #tpu.memory_space<hbm>>
      tpu.wait_dma2 semaphore(%run_scoped3A : memref<!tpu.dma_semaphore, #tpu.memory_space<semaphore_mem>>) src(%dma_wait3A_35 : memref<16xf32, #tpu.memory_space<hbm>>) dst(%arg10 : memref<16xf32, #tpu.memory_space<vmem>>)
      tpu.yield
    }) : () -> ()
    "tpu.region"() ({
      %run_scoped3A = tpu.sem_alloc : memref<!tpu.dma_semaphore, #tpu.memory_space<semaphore_mem>>
      %dma_start3A = arith.constant 0 : i32
      %dma_start3A_26 = tpu.memref_slice %arg4[%add3A, %dma_start3A] : memref<32x16xi32, #tpu.memory_space<hbm>> -> memref<1x16xi32, #tpu.memory_space<hbm>>
      %dma_start3A_27 = tpu.memref_squeeze %dma_start3A_26 : memref<1x16xi32, #tpu.memory_space<hbm>> -> memref<16xi32, #tpu.memory_space<hbm>>
      %dma_start3A_28 = arith.constant 0 : i32
      %dma_start3A_29 = tpu.memref_slice %arg4[%add3A, %dma_start3A_28] : memref<32x16xi32, #tpu.memory_space<hbm>> -> memref<1x16xi32, #tpu.memory_space<hbm>>
      %dma_start3A_30 = tpu.memref_squeeze %dma_start3A_29 : memref<1x16xi32, #tpu.memory_space<hbm>> -> memref<16xi32, #tpu.memory_space<hbm>>
      tpu.enqueue_dma source(%dma_start3A_30 : memref<16xi32, #tpu.memory_space<hbm>>) target(%arg11 : memref<16xi32, #tpu.memory_space<vmem>>) target_semaphore(%run_scoped3A : memref<!tpu.dma_semaphore, #tpu.memory_space<semaphore_mem>>)
      %dma_wait3A = arith.constant 0 : i32
      %dma_wait3A_31 = tpu.memref_slice %arg4[%add3A, %dma_wait3A] : memref<32x16xi32, #tpu.memory_space<hbm>> -> memref<1x16xi32, #tpu.memory_space<hbm>>
      %dma_wait3A_32 = tpu.memref_squeeze %dma_wait3A_31 : memref<1x16xi32, #tpu.memory_space<hbm>> -> memref<16xi32, #tpu.memory_space<hbm>>
      %dma_wait3A_33 = arith.constant 0 : i32
      %dma_wait3A_34 = tpu.memref_slice %arg4[%add3A, %dma_wait3A_33] : memref<32x16xi32, #tpu.memory_space<hbm>> -> memref<1x16xi32, #tpu.memory_space<hbm>>
      %dma_wait3A_35 = tpu.memref_squeeze %dma_wait3A_34 : memref<1x16xi32, #tpu.memory_space<hbm>> -> memref<16xi32, #tpu.memory_space<hbm>>
      tpu.wait_dma2 semaphore(%run_scoped3A : memref<!tpu.dma_semaphore, #tpu.memory_space<semaphore_mem>>) src(%dma_wait3A_35 : memref<16xi32, #tpu.memory_space<hbm>>) dst(%arg11 : memref<16xi32, #tpu.memory_space<vmem>>)
      tpu.yield
    }) : () -> ()
    %get3A = arith.constant 0 : index
    %get3A_10 = tpu.vector_load %arg10[%get3A] {strides = array<i32>} : memref<16xf32, #tpu.memory_space<vmem>>, vector<16xf32>,
    %get3A_11 = arith.constant 0 : index
    %get3A_12 = tpu.vector_load %arg11[%get3A_11] {strides = array<i32>} : memref<16xi32, #tpu.memory_space<vmem>>, vector<16xi32>,
    %iota3A = tpu.iota {dimensions = array<i32: 0>} : vector<16xi32>
    %scan3A = arith.constant 0 : i32
    %scan3A_13 = arith.constant 0 : i32
    %scan3A_14 = arith.constant 450 : i32
    %scan3A_15 = arith.addi %scan3A_13, %scan3A_14 : i32
    %scan3A_16 = arith.constant 1 : i32
    %scan3A_17 = scf.for %scan3A_26 = %scan3A_13 to %scan3A_15 step %scan3A_16 iter_args(%scan3A_27 = %scan3A) -> (i32)  : i32 {
      %mul3A_28 = arith.constant 128 : i32
      %mul3A_29 = arith.muli %scan3A_26, %mul3A_28 : i32
      %add3A_30 = arith.constant 0 : i32
      %add3A_31 = arith.addi %mul3A_29, %add3A_30 : i32
      %get3A_32 = arith.index_cast %add3A_31 : i32 to index
      %get3A_33 = tpu.vector_load %arg7[%get3A_32] {strides = array<i32>} : memref<57600xf32, #tpu.memory_space<vmem>>, vector<16xf32>,
      %mul3A_34 = arith.constant 450 : i32
      %mul3A_35 = arith.muli %select_n3A_9, %mul3A_34 : i32
      %add3A_36 = arith.addi %mul3A_35, %scan3A_26 : i32
      %mul3A_37 = arith.constant 80 : i32
      %mul3A_38 = arith.muli %add3A_36, %mul3A_37 : i32
      %add3A_39 = arith.constant 0 : i32
      %add3A_40 = arith.addi %mul3A_38, %add3A_39 : i32
      %add3A_41 = vector.broadcast %add3A_40 : i32 to vector<16xi32>
      %add3A_42 = arith.addi %add3A_41, %iota3A : vector<16xi32>
      %gt3A = arith.cmpf ogt, %get3A_33, %get3A_10 : vector<16xf32>
      %eq3A_43 = arith.cmpf oeq, %get3A_33, %get3A_10 : vector<16xf32>
      %lt3A_44 = arith.cmpi slt, %add3A_42, %get3A_12 : vector<16xi32>
      %and3A_45 = arith.andi %eq3A_43, %lt3A_44 : vector<16xi1>
      %or3A = arith.ori %gt3A, %and3A_45 : vector<16xi1>
      %jit3A_46 = arith.constant 2147483647 : i32
      %broadcast_in_dim3A = vector.broadcast %jit3A_46 : i32 to vector<16xi32>
      %select_n3A_47 = arith.select %or3A, %add3A_42, %broadcast_in_dim3A : vector<16xi1>, vector<16xi32>
      %masked_sort3A = arith.constant dense<true> : vector<16xi1>
      %masked_sort3A_48 = arith.constant -2147483648 : i32
      %masked_sort3A_49 = vector.broadcast %masked_sort3A_48 : i32 to vector<16xi32>
      %masked_sort3A_50 = arith.xori %select_n3A_47, %masked_sort3A_49 : vector<16xi32>
      %masked_sort3A_51, %masked_sort3A_52, %masked_sort3A_53 = tpu.sort %masked_sort3A_50, %get3A_33 masked %masked_sort3A : (vector<16xi32>, vector<16xf32>, vector<16xi1>) -> (vector<16xi1>, vector<16xi32>, vector<16xf32>)
      %masked_sort3A_54 = arith.xori %masked_sort3A_52, %masked_sort3A_49 : vector<16xi32>
      %masked_sort3A_55 = arith.constant dense<true> : vector<16xi1>
      %masked_sort3A_56 = arith.constant -2147483648 : i32
      %masked_sort3A_57 = vector.broadcast %masked_sort3A_56 : i32 to vector<16xi32>
      %masked_sort3A_58 = arith.xori %select_n3A_47, %masked_sort3A_57 : vector<16xi32>
      %masked_sort3A_59, %masked_sort3A_60, %masked_sort3A_61 = tpu.sort %masked_sort3A_58, %add3A_42 masked %masked_sort3A_55 : (vector<16xi32>, vector<16xi32>, vector<16xi1>) -> (vector<16xi1>, vector<16xi32>, vector<16xi32>)
      %masked_sort3A_62 = arith.xori %masked_sort3A_60, %masked_sort3A_57 : vector<16xi32>
      %swap3A = arith.index_cast %scan3A_27 : i32 to index
      %swap3A_63 = tpu.vector_load %arg8[%swap3A] {strides = array<i32>} : memref<320xf32, #tpu.memory_space<vmem>>, vector<16xf32>,
      tpu.vector_store %arg8[%swap3A], %masked_sort3A_53 {strides = array<i32>} : memref<320xf32, #tpu.memory_space<vmem>>, vector<16xf32>,
      %swap3A_64 = arith.index_cast %scan3A_27 : i32 to index
      %swap3A_65 = tpu.vector_load %arg9[%swap3A_64] {strides = array<i32>} : memref<320xi32, #tpu.memory_space<vmem>>, vector<16xi32>,
      tpu.vector_store %arg9[%swap3A_64], %masked_sort3A_61 {strides = array<i32>} : memref<320xi32, #tpu.memory_space<vmem>>, vector<16xi32>,
      %all_reduce_population_count3A = tpu.all_reduce %or3A {dim = 0 : i64, kind = #tpu.reduction_kind<sum>} : vector<16xi1> -> vector<16xi32>
      %slice3A = vector.extract_strided_slice %all_reduce_population_count3A {offsets = [0], sizes = [1], strides = [1]} : vector<16xi32> to vector<1xi32>
      %squeeze3A = vector.extract %slice3A[0] : i32 from vector<1xi32>
      %add3A_66 = arith.addi %scan3A_27, %squeeze3A : i32
      %mul3A_67 = arith.constant 128 : i32
      %mul3A_68 = arith.muli %scan3A_26, %mul3A_67 : i32
      %add3A_69 = arith.constant 16 : i32
      %add3A_70 = arith.addi %mul3A_68, %add3A_69 : i32
      %get3A_71 = arith.index_cast %add3A_70 : i32 to index
      %get3A_72 = tpu.vector_load %arg7[%get3A_71] {strides = array<i32>} : memref<57600xf32, #tpu.memory_space<vmem>>, vector<16xf32>,
      %mul3A_73 = arith.constant 450 : i32
      %mul3A_74 = arith.muli %select_n3A_9, %mul3A_73 : i32
      %add3A_75 = arith.addi %mul3A_74, %scan3A_26 : i32
      %mul3A_76 = arith.constant 80 : i32
      %mul3A_77 = arith.muli %add3A_75, %mul3A_76 : i32
      %add3A_78 = arith.constant 16 : i32
      %add3A_79 = arith.addi %mul3A_77, %add3A_78 : i32
      %add3A_80 = vector.broadcast %add3A_79 : i32 to vector<16xi32>
      %add3A_81 = arith.addi %add3A_80, %iota3A : vector<16xi32>
      %gt3A_82 = arith.cmpf ogt, %get3A_72, %get3A_10 : vector<16xf32>
      %eq3A_83 = arith.cmpf oeq, %get3A_72, %get3A_10 : vector<16xf32>
      %lt3A_84 = arith.cmpi slt, %add3A_81, %get3A_12 : vector<16xi32>
      %and3A_85 = arith.andi %eq3A_83, %lt3A_84 : vector<16xi1>
      %or3A_86 = arith.ori %gt3A_82, %and3A_85 : vector<16xi1>
      %jit3A_87 = arith.constant 2147483647 : i32
      %broadcast_in_dim3A_88 = vector.broadcast %jit3A_87 : i32 to vector<16xi32>
      %select_n3A_89 = arith.select %or3A_86, %add3A_81, %broadcast_in_dim3A_88 : vector<16xi1>, vector<16xi32>
      %masked_sort3A_90 = arith.constant dense<true> : vector<16xi1>
      %masked_sort3A_91 = arith.constant -2147483648 : i32
      %masked_sort3A_92 = vector.broadcast %masked_sort3A_91 : i32 to vector<16xi32>
      %masked_sort3A_93 = arith.xori %select_n3A_89, %masked_sort3A_92 : vector<16xi32>
      %masked_sort3A_94, %masked_sort3A_95, %masked_sort3A_96 = tpu.sort %masked_sort3A_93, %get3A_72 masked %masked_sort3A_90 : (vector<16xi32>, vector<16xf32>, vector<16xi1>) -> (vector<16xi1>, vector<16xi32>, vector<16xf32>)
      %masked_sort3A_97 = arith.xori %masked_sort3A_95, %masked_sort3A_92 : vector<16xi32>
      %masked_sort3A_98 = arith.constant dense<true> : vector<16xi1>
      %masked_sort3A_99 = arith.constant -2147483648 : i32
      %masked_sort3A_100 = vector.broadcast %masked_sort3A_99 : i32 to vector<16xi32>
      %masked_sort3A_101 = arith.xori %select_n3A_89, %masked_sort3A_100 : vector<16xi32>
      %masked_sort3A_102, %masked_sort3A_103, %masked_sort3A_104 = tpu.sort %masked_sort3A_101, %add3A_81 masked %masked_sort3A_98 : (vector<16xi32>, vector<16xi32>, vector<16xi1>) -> (vector<16xi1>, vector<16xi32>, vector<16xi32>)
      %masked_sort3A_105 = arith.xori %masked_sort3A_103, %masked_sort3A_100 : vector<16xi32>
      %swap3A_106 = arith.index_cast %add3A_66 : i32 to index
      %swap3A_107 = tpu.vector_load %arg8[%swap3A_106] {strides = array<i32>} : memref<320xf32, #tpu.memory_space<vmem>>, vector<16xf32>,
      tpu.vector_store %arg8[%swap3A_106], %masked_sort3A_96 {strides = array<i32>} : memref<320xf32, #tpu.memory_space<vmem>>, vector<16xf32>,
      %swap3A_108 = arith.index_cast %add3A_66 : i32 to index
      %swap3A_109 = tpu.vector_load %arg9[%swap3A_108] {strides = array<i32>} : memref<320xi32, #tpu.memory_space<vmem>>, vector<16xi32>,
      tpu.vector_store %arg9[%swap3A_108], %masked_sort3A_104 {strides = array<i32>} : memref<320xi32, #tpu.memory_space<vmem>>, vector<16xi32>,
      %all_reduce_population_count3A_110 = tpu.all_reduce %or3A_86 {dim = 0 : i64, kind = #tpu.reduction_kind<sum>} : vector<16xi1> -> vector<16xi32>
      %slice3A_111 = vector.extract_strided_slice %all_reduce_population_count3A_110 {offsets = [0], sizes = [1], strides = [1]} : vector<16xi32> to vector<1xi32>
      %squeeze3A_112 = vector.extract %slice3A_111[0] : i32 from vector<1xi32>
      %add3A_113 = arith.addi %add3A_66, %squeeze3A_112 : i32
      %mul3A_114 = arith.constant 128 : i32
      %mul3A_115 = arith.muli %scan3A_26, %mul3A_114 : i32
      %add3A_116 = arith.constant 32 : i32
      %add3A_117 = arith.addi %mul3A_115, %add3A_116 : i32
      %get3A_118 = arith.index_cast %add3A_117 : i32 to index
      %get3A_119 = tpu.vector_load %arg7[%get3A_118] {strides = array<i32>} : memref<57600xf32, #tpu.memory_space<vmem>>, vector<16xf32>,
      %mul3A_120 = arith.constant 450 : i32
      %mul3A_121 = arith.muli %select_n3A_9, %mul3A_120 : i32
      %add3A_122 = arith.addi %mul3A_121, %scan3A_26 : i32
      %mul3A_123 = arith.constant 80 : i32
      %mul3A_124 = arith.muli %add3A_122, %mul3A_123 : i32
      %add3A_125 = arith.constant 32 : i32
      %add3A_126 = arith.addi %mul3A_124, %add3A_125 : i32
      %add3A_127 = vector.broadcast %add3A_126 : i32 to vector<16xi32>
      %add3A_128 = arith.addi %add3A_127, %iota3A : vector<16xi32>
      %gt3A_129 = arith.cmpf ogt, %get3A_119, %get3A_10 : vector<16xf32>
      %eq3A_130 = arith.cmpf oeq, %get3A_119, %get3A_10 : vector<16xf32>
      %lt3A_131 = arith.cmpi slt, %add3A_128, %get3A_12 : vector<16xi32>
      %and3A_132 = arith.andi %eq3A_130, %lt3A_131 : vector<16xi1>
      %or3A_133 = arith.ori %gt3A_129, %and3A_132 : vector<16xi1>
      %jit3A_134 = arith.constant 2147483647 : i32
      %broadcast_in_dim3A_135 = vector.broadcast %jit3A_134 : i32 to vector<16xi32>
      %select_n3A_136 = arith.select %or3A_133, %add3A_128, %broadcast_in_dim3A_135 : vector<16xi1>, vector<16xi32>
      %masked_sort3A_137 = arith.constant dense<true> : vector<16xi1>
      %masked_sort3A_138 = arith.constant -2147483648 : i32
      %masked_sort3A_139 = vector.broadcast %masked_sort3A_138 : i32 to vector<16xi32>
      %masked_sort3A_140 = arith.xori %select_n3A_136, %masked_sort3A_139 : vector<16xi32>
      %masked_sort3A_141, %masked_sort3A_142, %masked_sort3A_143 = tpu.sort %masked_sort3A_140, %get3A_119 masked %masked_sort3A_137 : (vector<16xi32>, vector<16xf32>, vector<16xi1>) -> (vector<16xi1>, vector<16xi32>, vector<16xf32>)
      %masked_sort3A_144 = arith.xori %masked_sort3A_142, %masked_sort3A_139 : vector<16xi32>
      %masked_sort3A_145 = arith.constant dense<true> : vector<16xi1>
      %masked_sort3A_146 = arith.constant -2147483648 : i32
      %masked_sort3A_147 = vector.broadcast %masked_sort3A_146 : i32 to vector<16xi32>
      %masked_sort3A_148 = arith.xori %select_n3A_136, %masked_sort3A_147 : vector<16xi32>
      %masked_sort3A_149, %masked_sort3A_150, %masked_sort3A_151 = tpu.sort %masked_sort3A_148, %add3A_128 masked %masked_sort3A_145 : (vector<16xi32>, vector<16xi32>, vector<16xi1>) -> (vector<16xi1>, vector<16xi32>, vector<16xi32>)
      %masked_sort3A_152 = arith.xori %masked_sort3A_150, %masked_sort3A_147 : vector<16xi32>
      %swap3A_153 = arith.index_cast %add3A_113 : i32 to index
      %swap3A_154 = tpu.vector_load %arg8[%swap3A_153] {strides = array<i32>} : memref<320xf32, #tpu.memory_space<vmem>>, vector<16xf32>,
      tpu.vector_store %arg8[%swap3A_153], %masked_sort3A_143 {strides = array<i32>} : memref<320xf32, #tpu.memory_space<vmem>>, vector<16xf32>,
      %swap3A_155 = arith.index_cast %add3A_113 : i32 to index
      %swap3A_156 = tpu.vector_load %arg9[%swap3A_155] {strides = array<i32>} : memref<320xi32, #tpu.memory_space<vmem>>, vector<16xi32>,
      tpu.vector_store %arg9[%swap3A_155], %masked_sort3A_151 {strides = array<i32>} : memref<320xi32, #tpu.memory_space<vmem>>, vector<16xi32>,
      %all_reduce_population_count3A_157 = tpu.all_reduce %or3A_133 {dim = 0 : i64, kind = #tpu.reduction_kind<sum>} : vector<16xi1> -> vector<16xi32>
      %slice3A_158 = vector.extract_strided_slice %all_reduce_population_count3A_157 {offsets = [0], sizes = [1], strides = [1]} : vector<16xi32> to vector<1xi32>
      %squeeze3A_159 = vector.extract %slice3A_158[0] : i32 from vector<1xi32>
      %add3A_160 = arith.addi %add3A_113, %squeeze3A_159 : i32
      %mul3A_161 = arith.constant 128 : i32
      %mul3A_162 = arith.muli %scan3A_26, %mul3A_161 : i32
      %add3A_163 = arith.constant 48 : i32
      %add3A_164 = arith.addi %mul3A_162, %add3A_163 : i32
      %get3A_165 = arith.index_cast %add3A_164 : i32 to index
      %get3A_166 = tpu.vector_load %arg7[%get3A_165] {strides = array<i32>} : memref<57600xf32, #tpu.memory_space<vmem>>, vector<16xf32>,
      %mul3A_167 = arith.constant 450 : i32
      %mul3A_168 = arith.muli %select_n3A_9, %mul3A_167 : i32
      %add3A_169 = arith.addi %mul3A_168, %scan3A_26 : i32
      %mul3A_170 = arith.constant 80 : i32
      %mul3A_171 = arith.muli %add3A_169, %mul3A_170 : i32
      %add3A_172 = arith.constant 48 : i32
      %add3A_173 = arith.addi %mul3A_171, %add3A_172 : i32
      %add3A_174 = vector.broadcast %add3A_173 : i32 to vector<16xi32>
      %add3A_175 = arith.addi %add3A_174, %iota3A : vector<16xi32>
      %gt3A_176 = arith.cmpf ogt, %get3A_166, %get3A_10 : vector<16xf32>
      %eq3A_177 = arith.cmpf oeq, %get3A_166, %get3A_10 : vector<16xf32>
      %lt3A_178 = arith.cmpi slt, %add3A_175, %get3A_12 : vector<16xi32>
      %and3A_179 = arith.andi %eq3A_177, %lt3A_178 : vector<16xi1>
      %or3A_180 = arith.ori %gt3A_176, %and3A_179 : vector<16xi1>
      %jit3A_181 = arith.constant 2147483647 : i32
      %broadcast_in_dim3A_182 = vector.broadcast %jit3A_181 : i32 to vector<16xi32>
      %select_n3A_183 = arith.select %or3A_180, %add3A_175, %broadcast_in_dim3A_182 : vector<16xi1>, vector<16xi32>
      %masked_sort3A_184 = arith.constant dense<true> : vector<16xi1>
      %masked_sort3A_185 = arith.constant -2147483648 : i32
      %masked_sort3A_186 = vector.broadcast %masked_sort3A_185 : i32 to vector<16xi32>
      %masked_sort3A_187 = arith.xori %select_n3A_183, %masked_sort3A_186 : vector<16xi32>
      %masked_sort3A_188, %masked_sort3A_189, %masked_sort3A_190 = tpu.sort %masked_sort3A_187, %get3A_166 masked %masked_sort3A_184 : (vector<16xi32>, vector<16xf32>, vector<16xi1>) -> (vector<16xi1>, vector<16xi32>, vector<16xf32>)
      %masked_sort3A_191 = arith.xori %masked_sort3A_189, %masked_sort3A_186 : vector<16xi32>
      %masked_sort3A_192 = arith.constant dense<true> : vector<16xi1>
      %masked_sort3A_193 = arith.constant -2147483648 : i32
      %masked_sort3A_194 = vector.broadcast %masked_sort3A_193 : i32 to vector<16xi32>
      %masked_sort3A_195 = arith.xori %select_n3A_183, %masked_sort3A_194 : vector<16xi32>
      %masked_sort3A_196, %masked_sort3A_197, %masked_sort3A_198 = tpu.sort %masked_sort3A_195, %add3A_175 masked %masked_sort3A_192 : (vector<16xi32>, vector<16xi32>, vector<16xi1>) -> (vector<16xi1>, vector<16xi32>, vector<16xi32>)
      %masked_sort3A_199 = arith.xori %masked_sort3A_197, %masked_sort3A_194 : vector<16xi32>
      %swap3A_200 = arith.index_cast %add3A_160 : i32 to index
      %swap3A_201 = tpu.vector_load %arg8[%swap3A_200] {strides = array<i32>} : memref<320xf32, #tpu.memory_space<vmem>>, vector<16xf32>,
      tpu.vector_store %arg8[%swap3A_200], %masked_sort3A_190 {strides = array<i32>} : memref<320xf32, #tpu.memory_space<vmem>>, vector<16xf32>,
      %swap3A_202 = arith.index_cast %add3A_160 : i32 to index
      %swap3A_203 = tpu.vector_load %arg9[%swap3A_202] {strides = array<i32>} : memref<320xi32, #tpu.memory_space<vmem>>, vector<16xi32>,
      tpu.vector_store %arg9[%swap3A_202], %masked_sort3A_198 {strides = array<i32>} : memref<320xi32, #tpu.memory_space<vmem>>, vector<16xi32>,
      %all_reduce_population_count3A_204 = tpu.all_reduce %or3A_180 {dim = 0 : i64, kind = #tpu.reduction_kind<sum>} : vector<16xi1> -> vector<16xi32>
      %slice3A_205 = vector.extract_strided_slice %all_reduce_population_count3A_204 {offsets = [0], sizes = [1], strides = [1]} : vector<16xi32> to vector<1xi32>
      %squeeze3A_206 = vector.extract %slice3A_205[0] : i32 from vector<1xi32>
      %add3A_207 = arith.addi %add3A_160, %squeeze3A_206 : i32
      %mul3A_208 = arith.constant 128 : i32
      %mul3A_209 = arith.muli %scan3A_26, %mul3A_208 : i32
      %add3A_210 = arith.constant 64 : i32
      %add3A_211 = arith.addi %mul3A_209, %add3A_210 : i32
      %get3A_212 = arith.index_cast %add3A_211 : i32 to index
      %get3A_213 = tpu.vector_load %arg7[%get3A_212] {strides = array<i32>} : memref<57600xf32, #tpu.memory_space<vmem>>, vector<16xf32>,
      %mul3A_214 = arith.constant 450 : i32
      %mul3A_215 = arith.muli %select_n3A_9, %mul3A_214 : i32
      %add3A_216 = arith.addi %mul3A_215, %scan3A_26 : i32
      %mul3A_217 = arith.constant 80 : i32
      %mul3A_218 = arith.muli %add3A_216, %mul3A_217 : i32
      %add3A_219 = arith.constant 64 : i32
      %add3A_220 = arith.addi %mul3A_218, %add3A_219 : i32
      %add3A_221 = vector.broadcast %add3A_220 : i32 to vector<16xi32>
      %add3A_222 = arith.addi %add3A_221, %iota3A : vector<16xi32>
      %gt3A_223 = arith.cmpf ogt, %get3A_213, %get3A_10 : vector<16xf32>
      %eq3A_224 = arith.cmpf oeq, %get3A_213, %get3A_10 : vector<16xf32>
      %lt3A_225 = arith.cmpi slt, %add3A_222, %get3A_12 : vector<16xi32>
      %and3A_226 = arith.andi %eq3A_224, %lt3A_225 : vector<16xi1>
      %or3A_227 = arith.ori %gt3A_223, %and3A_226 : vector<16xi1>
      %jit3A_228 = arith.constant 2147483647 : i32
      %broadcast_in_dim3A_229 = vector.broadcast %jit3A_228 : i32 to vector<16xi32>
      %select_n3A_230 = arith.select %or3A_227, %add3A_222, %broadcast_in_dim3A_229 : vector<16xi1>, vector<16xi32>
      %masked_sort3A_231 = arith.constant dense<true> : vector<16xi1>
      %masked_sort3A_232 = arith.constant -2147483648 : i32
      %masked_sort3A_233 = vector.broadcast %masked_sort3A_232 : i32 to vector<16xi32>
      %masked_sort3A_234 = arith.xori %select_n3A_230, %masked_sort3A_233 : vector<16xi32>
      %masked_sort3A_235, %masked_sort3A_236, %masked_sort3A_237 = tpu.sort %masked_sort3A_234, %get3A_213 masked %masked_sort3A_231 : (vector<16xi32>, vector<16xf32>, vector<16xi1>) -> (vector<16xi1>, vector<16xi32>, vector<16xf32>)
      %masked_sort3A_238 = arith.xori %masked_sort3A_236, %masked_sort3A_233 : vector<16xi32>
      %masked_sort3A_239 = arith.constant dense<true> : vector<16xi1>
      %masked_sort3A_240 = arith.constant -2147483648 : i32
      %masked_sort3A_241 = vector.broadcast %masked_sort3A_240 : i32 to vector<16xi32>
      %masked_sort3A_242 = arith.xori %select_n3A_230, %masked_sort3A_241 : vector<16xi32>
      %masked_sort3A_243, %masked_sort3A_244, %masked_sort3A_245 = tpu.sort %masked_sort3A_242, %add3A_222 masked %masked_sort3A_239 : (vector<16xi32>, vector<16xi32>, vector<16xi1>) -> (vector<16xi1>, vector<16xi32>, vector<16xi32>)
      %masked_sort3A_246 = arith.xori %masked_sort3A_244, %masked_sort3A_241 : vector<16xi32>
      %swap3A_247 = arith.index_cast %add3A_207 : i32 to index
      %swap3A_248 = tpu.vector_load %arg8[%swap3A_247] {strides = array<i32>} : memref<320xf32, #tpu.memory_space<vmem>>, vector<16xf32>,
      tpu.vector_store %arg8[%swap3A_247], %masked_sort3A_237 {strides = array<i32>} : memref<320xf32, #tpu.memory_space<vmem>>, vector<16xf32>,
      %swap3A_249 = arith.index_cast %add3A_207 : i32 to index
      %swap3A_250 = tpu.vector_load %arg9[%swap3A_249] {strides = array<i32>} : memref<320xi32, #tpu.memory_space<vmem>>, vector<16xi32>,
      tpu.vector_store %arg9[%swap3A_249], %masked_sort3A_245 {strides = array<i32>} : memref<320xi32, #tpu.memory_space<vmem>>, vector<16xi32>,
      %all_reduce_population_count3A_251 = tpu.all_reduce %or3A_227 {dim = 0 : i64, kind = #tpu.reduction_kind<sum>} : vector<16xi1> -> vector<16xi32>
      %slice3A_252 = vector.extract_strided_slice %all_reduce_population_count3A_251 {offsets = [0], sizes = [1], strides = [1]} : vector<16xi32> to vector<1xi32>
      %squeeze3A_253 = vector.extract %slice3A_252[0] : i32 from vector<1xi32>
      %add3A_254 = arith.addi %add3A_207, %squeeze3A_253 : i32
      scf.yield %add3A_254 : i32
    }
    %scan3A_18 = arith.constant 450 : i32
    %scan3A_19 = arith.constant 0 : i32
    %scan3A_20 = arith.constant 0 : i32
    %scan3A_21 = arith.constant 20 : i32
    %scan3A_22 = arith.addi %scan3A_20, %scan3A_21 : i32
    %scan3A_23 = arith.constant 1 : i32
    %scan3A_24 = scf.for %scan3A_26 = %scan3A_20 to %scan3A_22 step %scan3A_23 iter_args(%scan3A_27 = %scan3A_19) -> (i32)  : i32 {
      %mul3A_28 = arith.constant 16 : i32
      %mul3A_29 = arith.muli %scan3A_26, %mul3A_28 : i32
      %add3A_30 = vector.broadcast %mul3A_29 : i32 to vector<16xi32>
      %add3A_31 = arith.addi %add3A_30, %iota3A : vector<16xi32>
      %lt3A_32 = vector.broadcast %scan3A_17 : i32 to vector<16xi32>
      %lt3A_33 = arith.cmpi slt, %add3A_31, %lt3A_32 : vector<16xi32>
      %mul3A_34 = arith.constant 16 : i32
      %mul3A_35 = arith.muli %scan3A_26, %mul3A_34 : i32
      %get3A_36 = arith.index_cast %mul3A_35 : i32 to index
      %get3A_37 = tpu.vector_load %arg8[%get3A_36] {strides = array<i32>} : memref<320xf32, #tpu.memory_space<vmem>>, vector<16xf32>,
      %mul3A_38 = arith.constant 16 : i32
      %mul3A_39 = arith.muli %scan3A_26, %mul3A_38 : i32
      %get3A_40 = arith.index_cast %mul3A_39 : i32 to index
      %get3A_41 = tpu.vector_load %arg9[%get3A_40] {strides = array<i32>} : memref<320xi32, #tpu.memory_space<vmem>>, vector<16xi32>,
      %jit3A_42 = arith.constant -1.000000e+00 : f32
      %broadcast_in_dim3A = vector.broadcast %jit3A_42 : f32 to vector<16xf32>
      %select_n3A_43 = arith.select %lt3A_33, %get3A_37, %broadcast_in_dim3A : vector<16xi1>, vector<16xf32>
      %mul3A_44 = arith.constant 16 : i32
      %mul3A_45 = arith.muli %scan3A_26, %mul3A_44 : i32
      %swap3A = arith.index_cast %mul3A_45 : i32 to index
      %swap3A_46 = tpu.vector_load %arg8[%swap3A] {strides = array<i32>} : memref<320xf32, #tpu.memory_space<vmem>>, vector<16xf32>,
      tpu.vector_store %arg8[%swap3A], %select_n3A_43 {strides = array<i32>} : memref<320xf32, #tpu.memory_space<vmem>>, vector<16xf32>,
      %mul3A_47 = arith.constant 320 : i32
      %mul3A_48 = arith.muli %select_n3A_9, %mul3A_47 : i32
      %add3A_49 = arith.constant 72000 : i32
      %add3A_50 = arith.addi %add3A_49, %mul3A_48 : i32
      %add3A_51 = vector.broadcast %add3A_50 : i32 to vector<16xi32>
      %add3A_52 = arith.addi %add3A_51, %add3A_31 : vector<16xi32>
      %select_n3A_53 = arith.select %lt3A_33, %get3A_41, %add3A_52 : vector<16xi1>, vector<16xi32>
      %mul3A_54 = arith.constant 16 : i32
      %mul3A_55 = arith.muli %scan3A_26, %mul3A_54 : i32
      %swap3A_56 = arith.index_cast %mul3A_55 : i32 to index
      %swap3A_57 = tpu.vector_load %arg9[%swap3A_56] {strides = array<i32>} : memref<320xi32, #tpu.memory_space<vmem>>, vector<16xi32>,
      tpu.vector_store %arg9[%swap3A_56], %select_n3A_53 {strides = array<i32>} : memref<320xi32, #tpu.memory_space<vmem>>, vector<16xi32>,
      %scan3A_58 = arith.constant 0 : i32
      scf.yield %scan3A_58 : i32
    }
    %scan3A_25 = arith.constant 20 : i32
    "tpu.region"() ({
      %run_scoped3A = tpu.sem_alloc : memref<!tpu.dma_semaphore, #tpu.memory_space<semaphore_mem>>
      %dma_start3A = arith.constant 0 : i32
      %dma_start3A_26 = tpu.memref_slice %arg5[%add3A, %dma_start3A] : memref<32x320xf32, #tpu.memory_space<hbm>> -> memref<1x320xf32, #tpu.memory_space<hbm>>
      %dma_start3A_27 = tpu.memref_squeeze %dma_start3A_26 : memref<1x320xf32, #tpu.memory_space<hbm>> -> memref<320xf32, #tpu.memory_space<hbm>>
      %dma_start3A_28 = arith.constant 0 : i32
      %dma_start3A_29 = tpu.memref_slice %arg5[%add3A, %dma_start3A_28] : memref<32x320xf32, #tpu.memory_space<hbm>> -> memref<1x320xf32, #tpu.memory_space<hbm>>
      %dma_start3A_30 = tpu.memref_squeeze %dma_start3A_29 : memref<1x320xf32, #tpu.memory_space<hbm>> -> memref<320xf32, #tpu.memory_space<hbm>>
      tpu.enqueue_dma source(%arg8 : memref<320xf32, #tpu.memory_space<vmem>>) target(%dma_start3A_30 : memref<320xf32, #tpu.memory_space<hbm>>) target_semaphore(%run_scoped3A : memref<!tpu.dma_semaphore, #tpu.memory_space<semaphore_mem>>)
      %dma_wait3A = arith.constant 0 : i32
      %dma_wait3A_31 = tpu.memref_slice %arg5[%add3A, %dma_wait3A] : memref<32x320xf32, #tpu.memory_space<hbm>> -> memref<1x320xf32, #tpu.memory_space<hbm>>
      %dma_wait3A_32 = tpu.memref_squeeze %dma_wait3A_31 : memref<1x320xf32, #tpu.memory_space<hbm>> -> memref<320xf32, #tpu.memory_space<hbm>>
      %dma_wait3A_33 = arith.constant 0 : i32
      %dma_wait3A_34 = tpu.memref_slice %arg5[%add3A, %dma_wait3A_33] : memref<32x320xf32, #tpu.memory_space<hbm>> -> memref<1x320xf32, #tpu.memory_space<hbm>>
      %dma_wait3A_35 = tpu.memref_squeeze %dma_wait3A_34 : memref<1x320xf32, #tpu.memory_space<hbm>> -> memref<320xf32, #tpu.memory_space<hbm>>
      tpu.wait_dma2 semaphore(%run_scoped3A : memref<!tpu.dma_semaphore, #tpu.memory_space<semaphore_mem>>) src(%arg8 : memref<320xf32, #tpu.memory_space<vmem>>) dst(%dma_wait3A_35 : memref<320xf32, #tpu.memory_space<hbm>>)
      tpu.yield
    }) : () -> ()
    "tpu.region"() ({
      %run_scoped3A = tpu.sem_alloc : memref<!tpu.dma_semaphore, #tpu.memory_space<semaphore_mem>>
      %dma_start3A = arith.constant 0 : i32
      %dma_start3A_26 = tpu.memref_slice %arg6[%add3A, %dma_start3A] : memref<32x320xi32, #tpu.memory_space<hbm>> -> memref<1x320xi32, #tpu.memory_space<hbm>>
      %dma_start3A_27 = tpu.memref_squeeze %dma_start3A_26 : memref<1x320xi32, #tpu.memory_space<hbm>> -> memref<320xi32, #tpu.memory_space<hbm>>
      %dma_start3A_28 = arith.constant 0 : i32
      %dma_start3A_29 = tpu.memref_slice %arg6[%add3A, %dma_start3A_28] : memref<32x320xi32, #tpu.memory_space<hbm>> -> memref<1x320xi32, #tpu.memory_space<hbm>>
      %dma_start3A_30 = tpu.memref_squeeze %dma_start3A_29 : memref<1x320xi32, #tpu.memory_space<hbm>> -> memref<320xi32, #tpu.memory_space<hbm>>
      tpu.enqueue_dma source(%arg9 : memref<320xi32, #tpu.memory_space<vmem>>) target(%dma_start3A_30 : memref<320xi32, #tpu.memory_space<hbm>>) target_semaphore(%run_scoped3A : memref<!tpu.dma_semaphore, #tpu.memory_space<semaphore_mem>>)
      %dma_wait3A = arith.constant 0 : i32
      %dma_wait3A_31 = tpu.memref_slice %arg6[%add3A, %dma_wait3A] : memref<32x320xi32, #tpu.memory_space<hbm>> -> memref<1x320xi32, #tpu.memory_space<hbm>>
      %dma_wait3A_32 = tpu.memref_squeeze %dma_wait3A_31 : memref<1x320xi32, #tpu.memory_space<hbm>> -> memref<320xi32, #tpu.memory_space<hbm>>
      %dma_wait3A_33 = arith.constant 0 : i32
      %dma_wait3A_34 = tpu.memref_slice %arg6[%add3A, %dma_wait3A_33] : memref<32x320xi32, #tpu.memory_space<hbm>> -> memref<1x320xi32, #tpu.memory_space<hbm>>
      %dma_wait3A_35 = tpu.memref_squeeze %dma_wait3A_34 : memref<1x320xi32, #tpu.memory_space<hbm>> -> memref<320xi32, #tpu.memory_space<hbm>>
      tpu.wait_dma2 semaphore(%run_scoped3A : memref<!tpu.dma_semaphore, #tpu.memory_space<semaphore_mem>>) src(%arg9 : memref<320xi32, #tpu.memory_space<vmem>>) dst(%dma_wait3A_35 : memref<320xi32, #tpu.memory_space<hbm>>)
      tpu.yield
    }) : () -> ()
    return
  }
}

module attributes {stable_mosaic.version = 14 : i64} {
  func.func @_tc1_kernel(%arg0: i32, %arg1: memref<1x900x256xf32, #tpu.memory_space<vmem>>, %arg2: memref<80x256xf32, #tpu.memory_space<vmem>>, %arg3: memref<1x900x128xf32, #tpu.memory_space<vmem>>, %arg4: memref<1x2x16xf32, #tpu.memory_space<vmem>>, %arg5: memref<1x2x16xi32, #tpu.memory_space<vmem>>) attributes {dimension_semantics = [#tpu.dimension_semantics<arbitrary>], iteration_bounds = array<i64: 16>, scalar_prefetch = 0 : i64, scratch_operands = 0 : i64, tpu.core_type = #tpu.core_type<tc>, window_params = [{transform_indices = @transform_0, window_bounds = array<i64: 1, 900, 256>}, {pipeline_mode = #tpu.pipeline_mode<synchronous>, transform_indices = @transform_1, window_bounds = array<i64: 80, 256>}, {transform_indices = @transform_2, window_bounds = array<i64: 1, 900, 128>}, {transform_indices = @transform_3, window_bounds = array<i64: 1, 2, 16>}, {transform_indices = @transform_4, window_bounds = array<i64: 1, 2, 16>}]} {
    %get3A = arith.constant 0 : index
    %get3A_0 = arith.constant 0 : index
    %get3A_1 = vector.load %arg2[%get3A, %get3A_0] : memref<80x256xf32, #tpu.memory_space<vmem>>, vector<80x256xf32>
    %reduce_sum3A = arith.constant dense<0.000000e+00> : vector<80xf32>
    %reduce_sum3A_2 = vector.multi_reduction <add>, %get3A_1, %reduce_sum3A [1] : vector<80x256xf32> to vector<80xf32>
    %broadcast_in_dim3A = vector.shape_cast %reduce_sum3A_2 : vector<80xf32> to vector<80x1xf32>
    %eq3A = arith.constant 0.000000e+00 : f32
    %eq3A_3 = vector.broadcast %eq3A : f32 to vector<80x1xf32>
    %eq3A_4 = arith.cmpf oeq, %broadcast_in_dim3A, %eq3A_3 : vector<80x1xf32>
    %jit3A = arith.constant 1.000000e+00 : f32
    %broadcast_in_dim3A_5 = vector.broadcast %jit3A : f32 to vector<80x1xf32>
    %select_n3A = arith.select %eq3A_4, %broadcast_in_dim3A_5, %broadcast_in_dim3A : vector<80x1xi1>, vector<80x1xf32>
    %ne3A = arith.constant 0.000000e+00 : f32
    %ne3A_6 = vector.broadcast %ne3A : f32 to vector<80x1xf32>
    %ne3A_7 = arith.cmpf one, %broadcast_in_dim3A, %ne3A_6 : vector<80x1xf32>
    %div3A = vector.broadcast %select_n3A : vector<80x1xf32> to vector<80x256xf32>
    %div3A_8 = arith.divf %get3A_1, %div3A : vector<80x256xf32>
    %broadcast_in_dim3A_9 = vector.shape_cast %ne3A_7 : vector<80x1xi1> to vector<80x1xi1>
    %broadcast_in_dim3A_10 = vector.broadcast %broadcast_in_dim3A_9 : vector<80x1xi1> to vector<80x256xi1>
    %select_n3A_11 = arith.select %broadcast_in_dim3A_10, %div3A_8, %get3A_1 : vector<80x256xi1>, vector<80x256xf32>
    %broadcast_in_dim3A_12 = arith.constant 0.000000e+00 : f32
    %broadcast_in_dim3A_13 = vector.broadcast %broadcast_in_dim3A_12 : f32 to vector<48x256xf32>
    %concatenate3A = tpu.concatenate %select_n3A_11, %broadcast_in_dim3A_13 in 0 : vector<80x256xf32>, vector<48x256xf32> -> vector<128x256xf32>
    %get3A_14 = arith.constant 0 : index
    %get3A_15 = arith.constant 0 : index
    %get3A_16 = arith.constant 0 : index
    %get3A_17 = vector.load %arg1[%get3A_14, %get3A_15, %get3A_16] : memref<1x900x256xf32, #tpu.memory_space<vmem>>, vector<1x900x256xf32>
    %reshape3A = vector.shape_cast %get3A_17 : vector<1x900x256xf32> to vector<900x256xf32>
    %logistic3A = arith.negf %reshape3A : vector<900x256xf32>
    %logistic3A_18 = math.exp %logistic3A : vector<900x256xf32>
    %logistic3A_19 = arith.constant 1.000000e+00 : f32
    %logistic3A_20 = vector.broadcast %logistic3A_19 : f32 to vector<900x256xf32>
    %logistic3A_21 = arith.addf %logistic3A_20, %logistic3A_18 : vector<900x256xf32>
    %logistic3A_22 = arith.divf %logistic3A_20, %logistic3A_21 : vector<900x256xf32>
    %dot_general3A = arith.constant dense<0.000000e+00> : vector<900x128xf32>
    %dot_general3A_23 = tpu.matmul %logistic3A_22, %concatenate3A, %dot_general3A {dimension_numbers = #tpu.dot_dimension_numbers<[1], [1], [0], [0], [0, 0, 1, 0], [], []>, transpose_lhs_hint = false} : vector<900x256xf32>, vector<128x256xf32>, vector<900x128xf32> -> vector<900x128xf32>
    %iota3A = tpu.iota {dimensions = array<i32: 1>} : vector<900x128xi32>
    %iota3A_24 = tpu.iota {dimensions = array<i32: 0>} : vector<900x128xi32>
    %lt3A = arith.constant 80 : i32
    %lt3A_25 = vector.broadcast %lt3A : i32 to vector<900x128xi32>
    %lt3A_26 = arith.cmpi slt, %iota3A, %lt3A_25 : vector<900x128xi32>
    %jit3A_27 = arith.constant -1.000000e+00 : f32
    %broadcast_in_dim3A_28 = vector.broadcast %jit3A_27 : f32 to vector<900x128xf32>
    %select_n3A_29 = arith.select %lt3A_26, %dot_general3A_23, %broadcast_in_dim3A_28 : vector<900x128xi1>, vector<900x128xf32>
    %mul3A = arith.constant 80 : i32
    %mul3A_30 = vector.broadcast %mul3A : i32 to vector<900x128xi32>
    %mul3A_31 = arith.muli %iota3A_24, %mul3A_30 : vector<900x128xi32>
    %add3A = arith.addi %mul3A_31, %iota3A : vector<900x128xi32>
    %bitcast_convert_type3A = tpu.bitcast %select_n3A_29 : vector<900x128xf32> -> vector<900x128xi32>
    %shift_right_arithmetic3A = arith.constant 16 : i32
    %shift_right_arithmetic3A_32 = vector.broadcast %shift_right_arithmetic3A : i32 to vector<900x128xi32>
    %shift_right_arithmetic3A_33 = arith.shrsi %bitcast_convert_type3A, %shift_right_arithmetic3A_32 : vector<900x128xi32>
    %convert_element_type3A = arith.trunci %shift_right_arithmetic3A_33 : vector<900x128xi32> to vector<900x128xi16>
    %scan3A = arith.constant 0 : i32
    %scan3A_34 = arith.constant 16257 : i32
    %scan3A_35 = arith.constant 0 : i32
    %scan3A_36 = arith.constant 14 : i32
    %scan3A_37 = arith.addi %scan3A_35, %scan3A_36 : i32
    %scan3A_38 = arith.constant 1 : i32
    %scan3A_39:2 = scf.for %scan3A_107 = %scan3A_35 to %scan3A_37 step %scan3A_38 iter_args(%scan3A_108 = %scan3A, %scan3A_109 = %scan3A_34) -> (i32, i32)  : i32 {
      %sub3A_110 = arith.subi %scan3A_109, %scan3A_108 : i32
      %jit3A_111 = arith.constant 2 : i32
      %div3A_112 = arith.divsi %sub3A_110, %jit3A_111 : i32
      %sign3A = arith.constant 0 : i32
      %sign3A_113 = arith.cmpi sgt, %sub3A_110, %sign3A : i32
      %sign3A_114 = arith.extui %sign3A_113 : i1 to i32
      %sign3A_115 = arith.constant 0 : i32
      %sign3A_116 = arith.cmpi slt, %sub3A_110, %sign3A_115 : i32
      %sign3A_117 = arith.extui %sign3A_116 : i1 to i32
      %sign3A_118 = arith.subi %sign3A_114, %sign3A_117 : i32
      %sign3A_119 = arith.constant 0 : i32
      %sign3A_120 = arith.cmpi sgt, %jit3A_111, %sign3A_119 : i32
      %sign3A_121 = arith.extui %sign3A_120 : i1 to i32
      %sign3A_122 = arith.constant 0 : i32
      %sign3A_123 = arith.cmpi slt, %jit3A_111, %sign3A_122 : i32
      %sign3A_124 = arith.extui %sign3A_123 : i1 to i32
      %sign3A_125 = arith.subi %sign3A_121, %sign3A_124 : i32
      %ne3A_126 = arith.cmpi ne, %sign3A_118, %sign3A_125 : i32
      %rem3A = arith.remsi %sub3A_110, %jit3A_111 : i32
      %ne3A_127 = arith.constant 0 : i32
      %ne3A_128 = arith.cmpi ne, %rem3A, %ne3A_127 : i32
      %and3A_129 = arith.andi %ne3A_126, %ne3A_128 : i1
      %sub3A_130 = arith.constant 1 : i32
      %sub3A_131 = arith.subi %div3A_112, %sub3A_130 : i32
      %select_n3A_132 = arith.select %and3A_129, %sub3A_131, %div3A_112 : i32
      %add3A_133 = arith.addi %scan3A_108, %select_n3A_132 : i32
      %convert_element_type3A_134 = arith.trunci %add3A_133 : i32 to i16
      %ge3A = vector.broadcast %convert_element_type3A_134 : i16 to vector<900x128xi16>
      %ge3A_135 = arith.cmpi sge, %convert_element_type3A, %ge3A : vector<900x128xi16>
      %convert_element_type3A_136 = arith.extui %ge3A_135 : vector<900x128xi1> to vector<900x128xi16>
      %convert_element_type3A_137 = arith.extsi %convert_element_type3A_136 : vector<900x128xi16> to vector<900x128xi32>
      %reduce_sum3A_138 = arith.constant dense<0> : vector<128xi32>
      %reduce_sum3A_139 = vector.multi_reduction <add>, %convert_element_type3A_137, %reduce_sum3A_138 [0] : vector<900x128xi32> to vector<128xi32>
      %broadcast_in_dim3A_140 = vector.shape_cast %reduce_sum3A_139 : vector<128xi32> to vector<1x128xi32>
      %convert_element_type3A_141 = arith.sitofp %broadcast_in_dim3A_140 : vector<1x128xi32> to vector<1x128xf32>
      %reduce_sum3A_142 = vector.shape_cast %convert_element_type3A_141 : vector<1x128xf32> to vector<1x1x128xf32>
      %reduce_sum3A_143 = arith.constant dense<0.000000e+00> : vector<1xf32>
      %reduce_sum3A_144 = vector.multi_reduction <add>, %reduce_sum3A_142, %reduce_sum3A_143 [1, 2] : vector<1x1x128xf32> to vector<1xf32>
      %reduce_sum3A_145 = vector.shape_cast %reduce_sum3A_144 : vector<1xf32> to vector<1x1x1xf32>
      %reduce_sum3A_146 = vector.extract %reduce_sum3A_145[0, 0, 0] : f32 from vector<1x1x1xf32>
      %ge3A_147 = arith.constant 3.000000e+02 : f32
      %ge3A_148 = arith.cmpf oge, %reduce_sum3A_146, %ge3A_147 : f32
      %select_n3A_149 = arith.select %ge3A_148, %add3A_133, %scan3A_108 : i32
      %select_n3A_150 = arith.select %ge3A_148, %scan3A_109, %add3A_133 : i32
      scf.yield %select_n3A_149, %select_n3A_150 : i32, i32
    }
    %convert_element_type3A_40 = arith.trunci %scan3A_39#0 : i32 to i16
    %gt3A = vector.broadcast %convert_element_type3A_40 : i16 to vector<900x128xi16>
    %gt3A_41 = arith.cmpi sgt, %convert_element_type3A, %gt3A : vector<900x128xi16>
    %convert_element_type3A_42 = arith.extui %gt3A_41 : vector<900x128xi1> to vector<900x128xi16>
    %convert_element_type3A_43 = arith.extsi %convert_element_type3A_42 : vector<900x128xi16> to vector<900x128xi32>
    %reduce_sum3A_44 = arith.constant dense<0> : vector<128xi32>
    %reduce_sum3A_45 = vector.multi_reduction <add>, %convert_element_type3A_43, %reduce_sum3A_44 [0] : vector<900x128xi32> to vector<128xi32>
    %broadcast_in_dim3A_46 = vector.shape_cast %reduce_sum3A_45 : vector<128xi32> to vector<1x128xi32>
    %convert_element_type3A_47 = arith.sitofp %broadcast_in_dim3A_46 : vector<1x128xi32> to vector<1x128xf32>
    %reduce_sum3A_48 = vector.shape_cast %convert_element_type3A_47 : vector<1x128xf32> to vector<1x1x128xf32>
    %reduce_sum3A_49 = arith.constant dense<0.000000e+00> : vector<1xf32>
    %reduce_sum3A_50 = vector.multi_reduction <add>, %reduce_sum3A_48, %reduce_sum3A_49 [1, 2] : vector<1x1x128xf32> to vector<1xf32>
    %reduce_sum3A_51 = vector.shape_cast %reduce_sum3A_50 : vector<1xf32> to vector<1x1x1xf32>
    %reduce_sum3A_52 = vector.extract %reduce_sum3A_51[0, 0, 0] : f32 from vector<1x1x1xf32>
    %convert_element_type3A_53 = arith.trunci %scan3A_39#0 : i32 to i16
    %eq3A_54 = vector.broadcast %convert_element_type3A_53 : i16 to vector<900x128xi16>
    %eq3A_55 = arith.cmpi eq, %convert_element_type3A, %eq3A_54 : vector<900x128xi16>
    %and3A = arith.constant 65535 : i32
    %and3A_56 = vector.broadcast %and3A : i32 to vector<900x128xi32>
    %and3A_57 = arith.andi %bitcast_convert_type3A, %and3A_56 : vector<900x128xi32>
    %xor3A = arith.constant 32768 : i32
    %xor3A_58 = vector.broadcast %xor3A : i32 to vector<900x128xi32>
    %xor3A_59 = arith.xori %and3A_57, %xor3A_58 : vector<900x128xi32>
    %convert_element_type3A_60 = arith.trunci %xor3A_59 : vector<900x128xi32> to vector<900x128xi16>
    %scan3A_61 = arith.constant 0 : i32
    %scan3A_62 = arith.constant 65536 : i32
    %scan3A_63 = arith.constant 0 : i32
    %scan3A_64 = arith.constant 16 : i32
    %scan3A_65 = arith.addi %scan3A_63, %scan3A_64 : i32
    %scan3A_66 = arith.constant 1 : i32
    %scan3A_67:2 = scf.for %scan3A_107 = %scan3A_63 to %scan3A_65 step %scan3A_66 iter_args(%scan3A_108 = %scan3A_61, %scan3A_109 = %scan3A_62) -> (i32, i32)  : i32 {
      %sub3A_110 = arith.subi %scan3A_109, %scan3A_108 : i32
      %jit3A_111 = arith.constant 2 : i32
      %div3A_112 = arith.divsi %sub3A_110, %jit3A_111 : i32
      %sign3A = arith.constant 0 : i32
      %sign3A_113 = arith.cmpi sgt, %sub3A_110, %sign3A : i32
      %sign3A_114 = arith.extui %sign3A_113 : i1 to i32
      %sign3A_115 = arith.constant 0 : i32
      %sign3A_116 = arith.cmpi slt, %sub3A_110, %sign3A_115 : i32
      %sign3A_117 = arith.extui %sign3A_116 : i1 to i32
      %sign3A_118 = arith.subi %sign3A_114, %sign3A_117 : i32
      %sign3A_119 = arith.constant 0 : i32
      %sign3A_120 = arith.cmpi sgt, %jit3A_111, %sign3A_119 : i32
      %sign3A_121 = arith.extui %sign3A_120 : i1 to i32
      %sign3A_122 = arith.constant 0 : i32
      %sign3A_123 = arith.cmpi slt, %jit3A_111, %sign3A_122 : i32
      %sign3A_124 = arith.extui %sign3A_123 : i1 to i32
      %sign3A_125 = arith.subi %sign3A_121, %sign3A_124 : i32
      %ne3A_126 = arith.cmpi ne, %sign3A_118, %sign3A_125 : i32
      %rem3A = arith.remsi %sub3A_110, %jit3A_111 : i32
      %ne3A_127 = arith.constant 0 : i32
      %ne3A_128 = arith.cmpi ne, %rem3A, %ne3A_127 : i32
      %and3A_129 = arith.andi %ne3A_126, %ne3A_128 : i1
      %sub3A_130 = arith.constant 1 : i32
      %sub3A_131 = arith.subi %div3A_112, %sub3A_130 : i32
      %select_n3A_132 = arith.select %and3A_129, %sub3A_131, %div3A_112 : i32
      %add3A_133 = arith.addi %scan3A_108, %select_n3A_132 : i32
      %xor3A_134 = arith.constant 32768 : i32
      %xor3A_135 = arith.xori %add3A_133, %xor3A_134 : i32
      %convert_element_type3A_136 = arith.trunci %xor3A_135 : i32 to i16
      %ge3A = vector.broadcast %convert_element_type3A_136 : i16 to vector<900x128xi16>
      %ge3A_137 = arith.cmpi sge, %convert_element_type3A_60, %ge3A : vector<900x128xi16>
      %and3A_138 = arith.andi %eq3A_55, %ge3A_137 : vector<900x128xi1>
      %convert_element_type3A_139 = arith.extui %and3A_138 : vector<900x128xi1> to vector<900x128xi16>
      %convert_element_type3A_140 = arith.extsi %convert_element_type3A_139 : vector<900x128xi16> to vector<900x128xi32>
      %reduce_sum3A_141 = arith.constant dense<0> : vector<128xi32>
      %reduce_sum3A_142 = vector.multi_reduction <add>, %convert_element_type3A_140, %reduce_sum3A_141 [0] : vector<900x128xi32> to vector<128xi32>
      %broadcast_in_dim3A_143 = vector.shape_cast %reduce_sum3A_142 : vector<128xi32> to vector<1x128xi32>
      %convert_element_type3A_144 = arith.sitofp %broadcast_in_dim3A_143 : vector<1x128xi32> to vector<1x128xf32>
      %reduce_sum3A_145 = vector.shape_cast %convert_element_type3A_144 : vector<1x128xf32> to vector<1x1x128xf32>
      %reduce_sum3A_146 = arith.constant dense<0.000000e+00> : vector<1xf32>
      %reduce_sum3A_147 = vector.multi_reduction <add>, %reduce_sum3A_145, %reduce_sum3A_146 [1, 2] : vector<1x1x128xf32> to vector<1xf32>
      %reduce_sum3A_148 = vector.shape_cast %reduce_sum3A_147 : vector<1xf32> to vector<1x1x1xf32>
      %reduce_sum3A_149 = vector.extract %reduce_sum3A_148[0, 0, 0] : f32 from vector<1x1x1xf32>
      %add3A_150 = arith.addf %reduce_sum3A_52, %reduce_sum3A_149 : f32
      %ge3A_151 = arith.constant 3.000000e+02 : f32
      %ge3A_152 = arith.cmpf oge, %add3A_150, %ge3A_151 : f32
      %select_n3A_153 = arith.select %ge3A_152, %add3A_133, %scan3A_108 : i32
      %select_n3A_154 = arith.select %ge3A_152, %scan3A_109, %add3A_133 : i32
      scf.yield %select_n3A_153, %select_n3A_154 : i32, i32
    }
    %shift_left3A = arith.constant 16 : i32
    %shift_left3A_68 = arith.shli %scan3A_39#0, %shift_left3A : i32
    %or3A = arith.ori %shift_left3A_68, %scan3A_67#0 : i32
    %bitcast_convert_type3A_69 = arith.bitcast %or3A : i32 to f32
    %gt3A_70 = vector.broadcast %bitcast_convert_type3A_69 : f32 to vector<900x128xf32>
    %gt3A_71 = arith.cmpf ogt, %select_n3A_29, %gt3A_70 : vector<900x128xf32>
    %convert_element_type3A_72 = arith.extui %gt3A_71 : vector<900x128xi1> to vector<900x128xi32>
    %convert_element_type3A_73 = arith.sitofp %convert_element_type3A_72 : vector<900x128xi32> to vector<900x128xf32>
    %reduce_sum3A_74 = vector.shape_cast %convert_element_type3A_73 : vector<900x128xf32> to vector<1x900x128xf32>
    %reduce_sum3A_75 = arith.constant dense<0.000000e+00> : vector<1xf32>
    %reduce_sum3A_76 = vector.multi_reduction <add>, %reduce_sum3A_74, %reduce_sum3A_75 [1, 2] : vector<1x900x128xf32> to vector<1xf32>
    %reduce_sum3A_77 = vector.shape_cast %reduce_sum3A_76 : vector<1xf32> to vector<1x1x1xf32>
    %reduce_sum3A_78 = vector.extract %reduce_sum3A_77[0, 0, 0] : f32 from vector<1x1x1xf32>
    %sub3A = arith.constant 3.000000e+02 : f32
    %sub3A_79 = arith.subf %sub3A, %reduce_sum3A_78 : f32
    %eq3A_80 = vector.broadcast %bitcast_convert_type3A_69 : f32 to vector<900x128xf32>
    %eq3A_81 = arith.cmpf oeq, %select_n3A_29, %eq3A_80 : vector<900x128xf32>
    %convert_element_type3A_82 = arith.extui %eq3A_81 : vector<900x128xi1> to vector<900x128xi32>
    %convert_element_type3A_83 = arith.sitofp %convert_element_type3A_82 : vector<900x128xi32> to vector<900x128xf32>
    %reduce_sum3A_84 = vector.shape_cast %convert_element_type3A_83 : vector<900x128xf32> to vector<1x900x128xf32>
    %reduce_sum3A_85 = arith.constant dense<0.000000e+00> : vector<1xf32>
    %reduce_sum3A_86 = vector.multi_reduction <add>, %reduce_sum3A_84, %reduce_sum3A_85 [1, 2] : vector<1x900x128xf32> to vector<1xf32>
    %reduce_sum3A_87 = vector.shape_cast %reduce_sum3A_86 : vector<1xf32> to vector<1x1x1xf32>
    %reduce_sum3A_88 = vector.extract %reduce_sum3A_87[0, 0, 0] : f32 from vector<1x1x1xf32>
    %gt3A_89 = arith.cmpf ogt, %reduce_sum3A_88, %sub3A_79 : f32
    %convert_element_type3A_90 = arith.extui %gt3A_89 : i1 to i32
    %cond3A = arith.constant 0 : i32
    %cond3A_91 = arith.cmpi ne, %convert_element_type3A_90, %cond3A : i32
    %cond3A_92 = scf.if %cond3A_91 -> (i32) {
      %scan3A_107 = arith.constant 0 : i32
      %scan3A_108 = arith.constant 72000 : i32
      %scan3A_109 = arith.constant 0 : i32
      %scan3A_110 = arith.constant 17 : i32
      %scan3A_111 = arith.addi %scan3A_109, %scan3A_110 : i32
      %scan3A_112 = arith.constant 1 : i32
      %scan3A_113:2 = scf.for %scan3A_114 = %scan3A_109 to %scan3A_111 step %scan3A_112 iter_args(%scan3A_115 = %scan3A_107, %scan3A_116 = %scan3A_108) -> (i32, i32)  : i32 {
        %sub3A_117 = arith.subi %scan3A_116, %scan3A_115 : i32
        %jit3A_118 = arith.constant 2 : i32
        %div3A_119 = arith.divsi %sub3A_117, %jit3A_118 : i32
        %sign3A = arith.constant 0 : i32
        %sign3A_120 = arith.cmpi sgt, %sub3A_117, %sign3A : i32
        %sign3A_121 = arith.extui %sign3A_120 : i1 to i32
        %sign3A_122 = arith.constant 0 : i32
        %sign3A_123 = arith.cmpi slt, %sub3A_117, %sign3A_122 : i32
        %sign3A_124 = arith.extui %sign3A_123 : i1 to i32
        %sign3A_125 = arith.subi %sign3A_121, %sign3A_124 : i32
        %sign3A_126 = arith.constant 0 : i32
        %sign3A_127 = arith.cmpi sgt, %jit3A_118, %sign3A_126 : i32
        %sign3A_128 = arith.extui %sign3A_127 : i1 to i32
        %sign3A_129 = arith.constant 0 : i32
        %sign3A_130 = arith.cmpi slt, %jit3A_118, %sign3A_129 : i32
        %sign3A_131 = arith.extui %sign3A_130 : i1 to i32
        %sign3A_132 = arith.subi %sign3A_128, %sign3A_131 : i32
        %ne3A_133 = arith.cmpi ne, %sign3A_125, %sign3A_132 : i32
        %rem3A = arith.remsi %sub3A_117, %jit3A_118 : i32
        %ne3A_134 = arith.constant 0 : i32
        %ne3A_135 = arith.cmpi ne, %rem3A, %ne3A_134 : i32
        %and3A_136 = arith.andi %ne3A_133, %ne3A_135 : i1
        %sub3A_137 = arith.constant 1 : i32
        %sub3A_138 = arith.subi %div3A_119, %sub3A_137 : i32
        %select_n3A_139 = arith.select %and3A_136, %sub3A_138, %div3A_119 : i32
        %add3A_140 = arith.addi %scan3A_115, %select_n3A_139 : i32
        %eq3A_141 = vector.broadcast %bitcast_convert_type3A_69 : f32 to vector<900x128xf32>
        %eq3A_142 = arith.cmpf oeq, %select_n3A_29, %eq3A_141 : vector<900x128xf32>
        %lt3A_143 = vector.broadcast %add3A_140 : i32 to vector<900x128xi32>
        %lt3A_144 = arith.cmpi slt, %add3A, %lt3A_143 : vector<900x128xi32>
        %and3A_145 = arith.andi %eq3A_142, %lt3A_144 : vector<900x128xi1>
        %convert_element_type3A_146 = arith.extui %and3A_145 : vector<900x128xi1> to vector<900x128xi32>
        %convert_element_type3A_147 = arith.sitofp %convert_element_type3A_146 : vector<900x128xi32> to vector<900x128xf32>
        %reduce_sum3A_148 = vector.shape_cast %convert_element_type3A_147 : vector<900x128xf32> to vector<1x900x128xf32>
        %reduce_sum3A_149 = arith.constant dense<0.000000e+00> : vector<1xf32>
        %reduce_sum3A_150 = vector.multi_reduction <add>, %reduce_sum3A_148, %reduce_sum3A_149 [1, 2] : vector<1x900x128xf32> to vector<1xf32>
        %reduce_sum3A_151 = vector.shape_cast %reduce_sum3A_150 : vector<1xf32> to vector<1x1x1xf32>
        %reduce_sum3A_152 = vector.extract %reduce_sum3A_151[0, 0, 0] : f32 from vector<1x1x1xf32>
        %ge3A = arith.cmpf oge, %reduce_sum3A_152, %sub3A_79 : f32
        %select_n3A_153 = arith.select %ge3A, %scan3A_115, %add3A_140 : i32
        %select_n3A_154 = arith.select %ge3A, %add3A_140, %scan3A_116 : i32
        scf.yield %select_n3A_153, %select_n3A_154 : i32, i32
      }
      scf.yield %scan3A_113#1 : i32
    } else {
      %cond3A_107 = arith.constant 72000 : i32
      scf.yield %cond3A_107 : i32
    }
    %reshape3A_93 = vector.shape_cast %select_n3A_29 : vector<900x128xf32> to vector<1x900x128xf32>
    %swap3A = arith.constant 0 : index
    %swap3A_94 = arith.constant 0 : index
    %swap3A_95 = arith.constant 0 : index
    %swap3A_96 = vector.load %arg3[%swap3A, %swap3A_94, %swap3A_95] : memref<1x900x128xf32, #tpu.memory_space<vmem>>, vector<1x900x128xf32>
    tpu.vector_store %arg3[%swap3A, %swap3A_94, %swap3A_95], %reshape3A_93 {strides = array<i32>} : memref<1x900x128xf32, #tpu.memory_space<vmem>>, vector<1x900x128xf32>,
    %broadcast_in_dim3A_97 = vector.broadcast %bitcast_convert_type3A_69 : f32 to vector<1x2x16xf32>
    %swap3A_98 = arith.constant 0 : index
    %swap3A_99 = arith.constant 0 : index
    %swap3A_100 = arith.constant 0 : index
    %swap3A_101 = vector.load %arg4[%swap3A_98, %swap3A_99, %swap3A_100] : memref<1x2x16xf32, #tpu.memory_space<vmem>>, vector<1x2x16xf32>
    tpu.vector_store %arg4[%swap3A_98, %swap3A_99, %swap3A_100], %broadcast_in_dim3A_97 {strides = array<i32>} : memref<1x2x16xf32, #tpu.memory_space<vmem>>, vector<1x2x16xf32>,
    %broadcast_in_dim3A_102 = vector.broadcast %cond3A_92 : i32 to vector<1x2x16xi32>
    %swap3A_103 = arith.constant 0 : index
    %swap3A_104 = arith.constant 0 : index
    %swap3A_105 = arith.constant 0 : index
    %swap3A_106 = vector.load %arg5[%swap3A_103, %swap3A_104, %swap3A_105] : memref<1x2x16xi32, #tpu.memory_space<vmem>>, vector<1x2x16xi32>
    tpu.vector_store %arg5[%swap3A_103, %swap3A_104, %swap3A_105], %broadcast_in_dim3A_102 {strides = array<i32>} : memref<1x2x16xi32, #tpu.memory_space<vmem>>, vector<1x2x16xi32>,
    return
  }
  func.func @transform_0(%arg0: i32) -> (i32, i32, i32) {
    %c0_i32 = arith.constant 0 : i32
    %c0_i32_0 = arith.constant 0 : i32
    %c0_i32_1 = arith.constant 0 : i32
    return %arg0, %c0_i32, %c0_i32_0 : i32, i32, i32
  }
  func.func @transform_1(%arg0: i32) -> (i32, i32) {
    %c0_i32 = arith.constant 0 : i32
    %c0_i32_0 = arith.constant 0 : i32
    %c0_i32_1 = arith.constant 0 : i32
    return %c0_i32, %c0_i32_0 : i32, i32
  }
  func.func @transform_2(%arg0: i32) -> (i32, i32, i32) {
    %c0_i32 = arith.constant 0 : i32
    %c0_i32_0 = arith.constant 0 : i32
    %c0_i32_1 = arith.constant 0 : i32
    return %arg0, %c0_i32, %c0_i32_0 : i32, i32, i32
  }
  func.func @transform_3(%arg0: i32) -> (i32, i32, i32) {
    %c0_i32 = arith.constant 0 : i32
    %c0_i32_0 = arith.constant 0 : i32
    %c0_i32_1 = arith.constant 0 : i32
    return %arg0, %c0_i32, %c0_i32_0 : i32, i32, i32
  }
  func.func @transform_4(%arg0: i32) -> (i32, i32, i32) {
    %c0_i32 = arith.constant 0 : i32
    %c0_i32_0 = arith.constant 0 : i32
    %c0_i32_1 = arith.constant 0 : i32
    return %arg0, %c0_i32, %c0_i32_0 : i32, i32, i32
  }
}

module attributes {stable_mosaic.version = 14 : i64} {
  func.func @_tc2_kernel(%arg0: i32, %arg1: memref<1x1x640xf32, #tpu.memory_space<vmem>>, %arg2: memref<1x1x640xi32, #tpu.memory_space<vmem>>, %arg3: memref<1x900x4xf32, #tpu.memory_space<vmem>>, %arg4: memref<1x1x2xi32, #tpu.memory_space<smem>>, %arg5: memref<1x1x300xf32, #tpu.memory_space<vmem>>, %arg6: memref<1x1x300xi32, #tpu.memory_space<vmem>>, %arg7: memref<1x300x4xf32, #tpu.memory_space<vmem>>) attributes {dimension_semantics = [#tpu.dimension_semantics<arbitrary>], iteration_bounds = array<i64: 16>, scalar_prefetch = 0 : i64, scratch_operands = 0 : i64, tpu.core_type = #tpu.core_type<tc>, window_params = [{transform_indices = @transform_0, window_bounds = array<i64: 1, 1, 640>}, {transform_indices = @transform_1, window_bounds = array<i64: 1, 1, 640>}, {transform_indices = @transform_2, window_bounds = array<i64: 1, 900, 4>}, {transform_indices = @transform_3, window_bounds = array<i64: 1, 1, 2>}, {transform_indices = @transform_4, window_bounds = array<i64: 1, 1, 300>}, {transform_indices = @transform_5, window_bounds = array<i64: 1, 1, 300>}, {transform_indices = @transform_6, window_bounds = array<i64: 1, 300, 4>}]} {
    %get3A = arith.constant 0 : index
    %get3A_0 = arith.constant 0 : index
    %get3A_1 = arith.constant 0 : index
    %get3A_2 = vector.load %arg1[%get3A, %get3A_0, %get3A_1] : memref<1x1x640xf32, #tpu.memory_space<vmem>>, vector<1x1x640xf32>
    %reshape3A = vector.shape_cast %get3A_2 : vector<1x1x640xf32> to vector<1x640xf32>
    %get3A_3 = arith.constant 0 : index
    %get3A_4 = arith.constant 0 : index
    %get3A_5 = arith.constant 0 : index
    %get3A_6 = vector.load %arg2[%get3A_3, %get3A_4, %get3A_5] : memref<1x1x640xi32, #tpu.memory_space<vmem>>, vector<1x1x640xi32>
    %convert_element_type3A = arith.sitofp %get3A_6 : vector<1x1x640xi32> to vector<1x1x640xf32>
    %reshape3A_7 = vector.shape_cast %convert_element_type3A : vector<1x1x640xf32> to vector<1x640xf32>
    %iota3A = tpu.iota {dimensions = array<i32: 0>} : vector<640x640xi32>
    %iota3A_8 = tpu.iota {dimensions = array<i32: 1>} : vector<640x640xi32>
    %eq3A = arith.cmpi eq, %iota3A, %iota3A_8 : vector<640x640xi32>
    %jit3A = arith.constant 0.000000e+00 : f32
    %broadcast_in_dim3A = vector.shape_cast %reshape3A : vector<1x640xf32> to vector<1x640xf32>
    %broadcast_in_dim3A_9 = vector.broadcast %broadcast_in_dim3A : vector<1x640xf32> to vector<640x640xf32>
    %broadcast_in_dim3A_10 = vector.broadcast %jit3A : f32 to vector<640x640xf32>
    %select_n3A = arith.select %eq3A, %broadcast_in_dim3A_9, %broadcast_in_dim3A_10 : vector<640x640xi1>, vector<640x640xf32>
    %reduce_sum3A = arith.constant dense<0.000000e+00> : vector<640xf32>
    %reduce_sum3A_11 = vector.multi_reduction <add>, %select_n3A, %reduce_sum3A [1] : vector<640x640xf32> to vector<640xf32>
    %broadcast_in_dim3A_12 = vector.shape_cast %reduce_sum3A_11 : vector<640xf32> to vector<640x1xf32>
    %jit3A_13 = arith.constant 0.000000e+00 : f32
    %broadcast_in_dim3A_14 = vector.shape_cast %reshape3A_7 : vector<1x640xf32> to vector<1x640xf32>
    %broadcast_in_dim3A_15 = vector.broadcast %broadcast_in_dim3A_14 : vector<1x640xf32> to vector<640x640xf32>
    %broadcast_in_dim3A_16 = vector.broadcast %jit3A_13 : f32 to vector<640x640xf32>
    %select_n3A_17 = arith.select %eq3A, %broadcast_in_dim3A_15, %broadcast_in_dim3A_16 : vector<640x640xi1>, vector<640x640xf32>
    %reduce_sum3A_18 = arith.constant dense<0.000000e+00> : vector<640xf32>
    %reduce_sum3A_19 = vector.multi_reduction <add>, %select_n3A_17, %reduce_sum3A_18 [1] : vector<640x640xf32> to vector<640xf32>
    %broadcast_in_dim3A_20 = vector.shape_cast %reduce_sum3A_19 : vector<640xf32> to vector<640x1xf32>
    %gt3A = vector.broadcast %reshape3A : vector<1x640xf32> to vector<640x640xf32>
    %gt3A_21 = vector.broadcast %broadcast_in_dim3A_12 : vector<640x1xf32> to vector<640x640xf32>
    %gt3A_22 = arith.cmpf ogt, %gt3A, %gt3A_21 : vector<640x640xf32>
    %eq3A_23 = vector.broadcast %reshape3A : vector<1x640xf32> to vector<640x640xf32>
    %eq3A_24 = vector.broadcast %broadcast_in_dim3A_12 : vector<640x1xf32> to vector<640x640xf32>
    %eq3A_25 = arith.cmpf oeq, %eq3A_23, %eq3A_24 : vector<640x640xf32>
    %lt3A = vector.broadcast %reshape3A_7 : vector<1x640xf32> to vector<640x640xf32>
    %lt3A_26 = vector.broadcast %broadcast_in_dim3A_20 : vector<640x1xf32> to vector<640x640xf32>
    %lt3A_27 = arith.cmpf olt, %lt3A, %lt3A_26 : vector<640x640xf32>
    %and3A = arith.andi %eq3A_25, %lt3A_27 : vector<640x640xi1>
    %or3A = arith.ori %gt3A_22, %and3A : vector<640x640xi1>
    %convert_element_type3A_28 = arith.extui %or3A : vector<640x640xi1> to vector<640x640xi32>
    %convert_element_type3A_29 = arith.sitofp %convert_element_type3A_28 : vector<640x640xi32> to vector<640x640xf32>
    %reduce_sum3A_30 = arith.constant dense<0.000000e+00> : vector<640xf32>
    %reduce_sum3A_31 = vector.multi_reduction <add>, %convert_element_type3A_29, %reduce_sum3A_30 [1] : vector<640x640xf32> to vector<640xf32>
    %broadcast_in_dim3A_32 = vector.shape_cast %reduce_sum3A_31 : vector<640xf32> to vector<640x1xf32>
    %iota3A_33 = tpu.iota {dimensions = array<i32: 1>} : vector<640x640xi32>
    %convert_element_type3A_34 = arith.sitofp %iota3A_33 : vector<640x640xi32> to vector<640x640xf32>
    %eq3A_35 = vector.broadcast %broadcast_in_dim3A_32 : vector<640x1xf32> to vector<640x640xf32>
    %eq3A_36 = arith.cmpf oeq, %eq3A_35, %convert_element_type3A_34 : vector<640x640xf32>
    %jit3A_37 = arith.constant 0.000000e+00 : f32
    %broadcast_in_dim3A_38 = vector.shape_cast %broadcast_in_dim3A_12 : vector<640x1xf32> to vector<640x1xf32>
    %broadcast_in_dim3A_39 = vector.broadcast %broadcast_in_dim3A_38 : vector<640x1xf32> to vector<640x640xf32>
    %broadcast_in_dim3A_40 = vector.broadcast %jit3A_37 : f32 to vector<640x640xf32>
    %select_n3A_41 = arith.select %eq3A_36, %broadcast_in_dim3A_39, %broadcast_in_dim3A_40 : vector<640x640xi1>, vector<640x640xf32>
    %reduce_sum3A_42 = arith.constant dense<0.000000e+00> : vector<640xf32>
    %reduce_sum3A_43 = vector.multi_reduction <add>, %select_n3A_41, %reduce_sum3A_42 [0] : vector<640x640xf32> to vector<640xf32>
    %broadcast_in_dim3A_44 = vector.shape_cast %reduce_sum3A_43 : vector<640xf32> to vector<1x640xf32>
    %jit3A_45 = arith.constant 0.000000e+00 : f32
    %broadcast_in_dim3A_46 = vector.shape_cast %broadcast_in_dim3A_20 : vector<640x1xf32> to vector<640x1xf32>
    %broadcast_in_dim3A_47 = vector.broadcast %broadcast_in_dim3A_46 : vector<640x1xf32> to vector<640x640xf32>
    %broadcast_in_dim3A_48 = vector.broadcast %jit3A_45 : f32 to vector<640x640xf32>
    %select_n3A_49 = arith.select %eq3A_36, %broadcast_in_dim3A_47, %broadcast_in_dim3A_48 : vector<640x640xi1>, vector<640x640xf32>
    %reduce_sum3A_50 = arith.constant dense<0.000000e+00> : vector<640xf32>
    %reduce_sum3A_51 = vector.multi_reduction <add>, %select_n3A_49, %reduce_sum3A_50 [0] : vector<640x640xf32> to vector<640xf32>
    %broadcast_in_dim3A_52 = vector.shape_cast %reduce_sum3A_51 : vector<640xf32> to vector<1x640xf32>
    %slice3A = vector.extract_strided_slice %broadcast_in_dim3A_44 {offsets = [0, 0], sizes = [1, 300], strides = [1, 1]} : vector<1x640xf32> to vector<1x300xf32>
    %reshape3A_53 = vector.shape_cast %slice3A : vector<1x300xf32> to vector<1x1x300xf32>
    %swap3A = arith.constant 0 : index
    %swap3A_54 = arith.constant 0 : index
    %swap3A_55 = arith.constant 0 : index
    %swap3A_56 = vector.load %arg5[%swap3A, %swap3A_54, %swap3A_55] : memref<1x1x300xf32, #tpu.memory_space<vmem>>, vector<1x1x300xf32>
    tpu.vector_store %arg5[%swap3A, %swap3A_54, %swap3A_55], %reshape3A_53 {strides = array<i32>} : memref<1x1x300xf32, #tpu.memory_space<vmem>>, vector<1x1x300xf32>,
    %convert_element_type3A_57 = arith.fptosi %broadcast_in_dim3A_52 : vector<1x640xf32> to vector<1x640xi32>
    %jit3A_58 = arith.constant 80 : i32
    %eq3A_59 = arith.constant 0 : i32
    %eq3A_60 = arith.cmpi eq, %jit3A_58, %eq3A_59 : i32
    %jit3A_61 = arith.constant 1 : i32
    %select_n3A_62 = arith.select %eq3A_60, %jit3A_61, %jit3A_58 : i32
    %rem3A = vector.broadcast %select_n3A_62 : i32 to vector<1x640xi32>
    %rem3A_63 = arith.remsi %convert_element_type3A_57, %rem3A : vector<1x640xi32>
    %ne3A = arith.constant 0 : i32
    %ne3A_64 = vector.broadcast %ne3A : i32 to vector<1x640xi32>
    %ne3A_65 = arith.cmpi ne, %rem3A_63, %ne3A_64 : vector<1x640xi32>
    %lt3A_66 = arith.constant 0 : i32
    %lt3A_67 = vector.broadcast %lt3A_66 : i32 to vector<1x640xi32>
    %lt3A_68 = arith.cmpi slt, %rem3A_63, %lt3A_67 : vector<1x640xi32>
    %lt3A_69 = arith.constant 0 : i32
    %lt3A_70 = arith.cmpi slt, %select_n3A_62, %lt3A_69 : i32
    %ne3A_71 = vector.broadcast %lt3A_70 : i1 to vector<1x640xi1>
    %ne3A_72 = vector.broadcast %ne3A_71 : vector<1x640xi1> to vector<1x640xi1>
    %ne3A_73 = arith.xori %lt3A_68, %ne3A_72 : vector<1x640xi1>
    %and3A_74 = arith.andi %ne3A_73, %ne3A_65 : vector<1x640xi1>
    %add3A = vector.broadcast %select_n3A_62 : i32 to vector<1x640xi32>
    %add3A_75 = arith.addi %rem3A_63, %add3A : vector<1x640xi32>
    %select_n3A_76 = arith.select %and3A_74, %add3A_75, %rem3A_63 : vector<1x640xi1>, vector<1x640xi32>
    %slice3A_77 = vector.extract_strided_slice %select_n3A_76 {offsets = [0, 0], sizes = [1, 300], strides = [1, 1]} : vector<1x640xi32> to vector<1x300xi32>
    %reshape3A_78 = vector.shape_cast %slice3A_77 : vector<1x300xi32> to vector<1x1x300xi32>
    %swap3A_79 = arith.constant 0 : index
    %swap3A_80 = arith.constant 0 : index
    %swap3A_81 = arith.constant 0 : index
    %swap3A_82 = vector.load %arg6[%swap3A_79, %swap3A_80, %swap3A_81] : memref<1x1x300xi32, #tpu.memory_space<vmem>>, vector<1x1x300xi32>
    tpu.vector_store %arg6[%swap3A_79, %swap3A_80, %swap3A_81], %reshape3A_78 {strides = array<i32>} : memref<1x1x300xi32, #tpu.memory_space<vmem>>, vector<1x1x300xi32>,
    %jit3A_83 = arith.constant 0.000000e+00 : f32
    %broadcast_in_dim3A_84 = vector.shape_cast %broadcast_in_dim3A_52 : vector<1x640xf32> to vector<1x640xf32>
    %broadcast_in_dim3A_85 = vector.broadcast %broadcast_in_dim3A_84 : vector<1x640xf32> to vector<640x640xf32>
    %broadcast_in_dim3A_86 = vector.broadcast %jit3A_83 : f32 to vector<640x640xf32>
    %select_n3A_87 = arith.select %eq3A, %broadcast_in_dim3A_85, %broadcast_in_dim3A_86 : vector<640x640xi1>, vector<640x640xf32>
    %reduce_sum3A_88 = arith.constant dense<0.000000e+00> : vector<640xf32>
    %reduce_sum3A_89 = vector.multi_reduction <add>, %select_n3A_87, %reduce_sum3A_88 [1] : vector<640x640xf32> to vector<640xf32>
    %broadcast_in_dim3A_90 = vector.shape_cast %reduce_sum3A_89 : vector<640xf32> to vector<640x1xf32>
    %convert_element_type3A_91 = arith.fptosi %broadcast_in_dim3A_90 : vector<640x1xf32> to vector<640x1xi32>
    %jit3A_92 = arith.constant 80 : i32
    %div3A = vector.broadcast %jit3A_92 : i32 to vector<640x1xi32>
    %div3A_93 = arith.divsi %convert_element_type3A_91, %div3A : vector<640x1xi32>
    %sign3A = arith.constant 0 : i32
    %sign3A_94 = vector.broadcast %sign3A : i32 to vector<640x1xi32>
    %sign3A_95 = arith.cmpi sgt, %convert_element_type3A_91, %sign3A_94 : vector<640x1xi32>
    %sign3A_96 = arith.extui %sign3A_95 : vector<640x1xi1> to vector<640x1xi32>
    %sign3A_97 = arith.constant 0 : i32
    %sign3A_98 = vector.broadcast %sign3A_97 : i32 to vector<640x1xi32>
    %sign3A_99 = arith.cmpi slt, %convert_element_type3A_91, %sign3A_98 : vector<640x1xi32>
    %sign3A_100 = arith.extui %sign3A_99 : vector<640x1xi1> to vector<640x1xi32>
    %sign3A_101 = arith.subi %sign3A_96, %sign3A_100 : vector<640x1xi32>
    %sign3A_102 = arith.constant 0 : i32
    %sign3A_103 = arith.cmpi sgt, %jit3A_92, %sign3A_102 : i32
    %sign3A_104 = arith.extui %sign3A_103 : i1 to i32
    %sign3A_105 = arith.constant 0 : i32
    %sign3A_106 = arith.cmpi slt, %jit3A_92, %sign3A_105 : i32
    %sign3A_107 = arith.extui %sign3A_106 : i1 to i32
    %sign3A_108 = arith.subi %sign3A_104, %sign3A_107 : i32
    %ne3A_109 = vector.broadcast %sign3A_108 : i32 to vector<640x1xi32>
    %ne3A_110 = arith.cmpi ne, %sign3A_101, %ne3A_109 : vector<640x1xi32>
    %rem3A_111 = vector.broadcast %jit3A_92 : i32 to vector<640x1xi32>
    %rem3A_112 = arith.remsi %convert_element_type3A_91, %rem3A_111 : vector<640x1xi32>
    %ne3A_113 = arith.constant 0 : i32
    %ne3A_114 = vector.broadcast %ne3A_113 : i32 to vector<640x1xi32>
    %ne3A_115 = arith.cmpi ne, %rem3A_112, %ne3A_114 : vector<640x1xi32>
    %and3A_116 = arith.andi %ne3A_110, %ne3A_115 : vector<640x1xi1>
    %sub3A = arith.constant 1 : i32
    %sub3A_117 = vector.broadcast %sub3A : i32 to vector<640x1xi32>
    %sub3A_118 = arith.subi %div3A_93, %sub3A_117 : vector<640x1xi32>
    %select_n3A_119 = arith.select %and3A_116, %sub3A_118, %div3A_93 : vector<640x1xi1>, vector<640x1xi32>
    %convert_element_type3A_120 = arith.sitofp %select_n3A_119 : vector<640x1xi32> to vector<640x1xf32>
    %iota3A_121 = tpu.iota {dimensions = array<i32: 1>} : vector<640x900xi32>
    %convert_element_type3A_122 = arith.sitofp %iota3A_121 : vector<640x900xi32> to vector<640x900xf32>
    %eq3A_123 = vector.broadcast %convert_element_type3A_120 : vector<640x1xf32> to vector<640x900xf32>
    %eq3A_124 = arith.cmpf oeq, %eq3A_123, %convert_element_type3A_122 : vector<640x900xf32>
    %convert_element_type3A_125 = arith.extui %eq3A_124 : vector<640x900xi1> to vector<640x900xi32>
    %convert_element_type3A_126 = arith.sitofp %convert_element_type3A_125 : vector<640x900xi32> to vector<640x900xf32>
    %get3A_127 = arith.constant 0 : index
    %get3A_128 = arith.constant 0 : index
    %get3A_129 = arith.constant 0 : index
    %get3A_130 = vector.load %arg3[%get3A_127, %get3A_128, %get3A_129] : memref<1x900x4xf32, #tpu.memory_space<vmem>>, vector<1x900x4xf32>
    %reshape3A_131 = vector.shape_cast %get3A_130 : vector<1x900x4xf32> to vector<900x4xf32>
    %slice3A_132 = vector.extract_strided_slice %reshape3A_131 {offsets = [0, 0], sizes = [900, 1], strides = [1, 1]} : vector<900x4xf32> to vector<900x1xf32>
    %slice3A_133 = vector.extract_strided_slice %reshape3A_131 {offsets = [0, 1], sizes = [900, 1], strides = [1, 1]} : vector<900x4xf32> to vector<900x1xf32>
    %slice3A_134 = vector.extract_strided_slice %reshape3A_131 {offsets = [0, 2], sizes = [900, 1], strides = [1, 1]} : vector<900x4xf32> to vector<900x1xf32>
    %slice3A_135 = vector.extract_strided_slice %reshape3A_131 {offsets = [0, 3], sizes = [900, 1], strides = [1, 1]} : vector<900x4xf32> to vector<900x1xf32>
    %get3A_136 = arith.constant 0 : index
    %get3A_137 = arith.constant 0 : index
    %get3A_138 = arith.constant 0 : index
    %get3A_139 = memref.load %arg4[%get3A_136, %get3A_137, %get3A_138] : memref<1x1x2xi32, #tpu.memory_space<smem>>
    %convert_element_type3A_140 = arith.sitofp %get3A_139 : i32 to f32
    %get3A_141 = arith.constant 0 : index
    %get3A_142 = arith.constant 0 : index
    %get3A_143 = arith.constant 1 : index
    %get3A_144 = memref.load %arg4[%get3A_141, %get3A_142, %get3A_143] : memref<1x1x2xi32, #tpu.memory_space<smem>>
    %convert_element_type3A_145 = arith.sitofp %get3A_144 : i32 to f32
    %mul3A = arith.constant 5.000000e-01 : f32
    %mul3A_146 = vector.broadcast %mul3A : f32 to vector<900x1xf32>
    %mul3A_147 = arith.mulf %mul3A_146, %slice3A_134 : vector<900x1xf32>
    %sub3A_148 = arith.subf %slice3A_132, %mul3A_147 : vector<900x1xf32>
    %mul3A_149 = vector.broadcast %convert_element_type3A_145 : f32 to vector<900x1xf32>
    %mul3A_150 = arith.mulf %sub3A_148, %mul3A_149 : vector<900x1xf32>
    %mul3A_151 = arith.constant 5.000000e-01 : f32
    %mul3A_152 = vector.broadcast %mul3A_151 : f32 to vector<900x1xf32>
    %mul3A_153 = arith.mulf %mul3A_152, %slice3A_135 : vector<900x1xf32>
    %sub3A_154 = arith.subf %slice3A_133, %mul3A_153 : vector<900x1xf32>
    %mul3A_155 = vector.broadcast %convert_element_type3A_140 : f32 to vector<900x1xf32>
    %mul3A_156 = arith.mulf %sub3A_154, %mul3A_155 : vector<900x1xf32>
    %mul3A_157 = arith.constant 5.000000e-01 : f32
    %mul3A_158 = vector.broadcast %mul3A_157 : f32 to vector<900x1xf32>
    %mul3A_159 = arith.mulf %mul3A_158, %slice3A_134 : vector<900x1xf32>
    %add3A_160 = arith.addf %slice3A_132, %mul3A_159 : vector<900x1xf32>
    %mul3A_161 = vector.broadcast %convert_element_type3A_145 : f32 to vector<900x1xf32>
    %mul3A_162 = arith.mulf %add3A_160, %mul3A_161 : vector<900x1xf32>
    %mul3A_163 = arith.constant 5.000000e-01 : f32
    %mul3A_164 = vector.broadcast %mul3A_163 : f32 to vector<900x1xf32>
    %mul3A_165 = arith.mulf %mul3A_164, %slice3A_135 : vector<900x1xf32>
    %add3A_166 = arith.addf %slice3A_133, %mul3A_165 : vector<900x1xf32>
    %mul3A_167 = vector.broadcast %convert_element_type3A_140 : f32 to vector<900x1xf32>
    %mul3A_168 = arith.mulf %add3A_166, %mul3A_167 : vector<900x1xf32>
    %concatenate3A = tpu.concatenate %mul3A_150, %mul3A_156, %mul3A_162, %mul3A_168 in 1 : vector<900x1xf32>, vector<900x1xf32>, vector<900x1xf32>, vector<900x1xf32> -> vector<900x4xf32>
    %dot_general3A = arith.constant dense<0.000000e+00> : vector<640x4xf32>
    %dot_general3A_169 = tpu.matmul %convert_element_type3A_126, %concatenate3A, %dot_general3A {dimension_numbers = #tpu.dot_dimension_numbers<[1], [0], [0], [1], [0, 0, 1, 1], [], []>, precision = #tpu.contract_precision<fp32>, transpose_lhs_hint = false} : vector<640x900xf32>, vector<900x4xf32>, vector<640x4xf32> -> vector<640x4xf32>
    %slice3A_170 = vector.extract_strided_slice %dot_general3A_169 {offsets = [0, 0], sizes = [300, 4], strides = [1, 1]} : vector<640x4xf32> to vector<300x4xf32>
    %reshape3A_171 = vector.shape_cast %slice3A_170 : vector<300x4xf32> to vector<1x300x4xf32>
    %swap3A_172 = arith.constant 0 : index
    %swap3A_173 = arith.constant 0 : index
    %swap3A_174 = arith.constant 0 : index
    %swap3A_175 = vector.load %arg7[%swap3A_172, %swap3A_173, %swap3A_174] : memref<1x300x4xf32, #tpu.memory_space<vmem>>, vector<1x300x4xf32>
    tpu.vector_store %arg7[%swap3A_172, %swap3A_173, %swap3A_174], %reshape3A_171 {strides = array<i32>} : memref<1x300x4xf32, #tpu.memory_space<vmem>>, vector<1x300x4xf32>,
    return
  }
  func.func @transform_0(%arg0: i32) -> (i32, i32, i32) {
    %c0_i32 = arith.constant 0 : i32
    %c0_i32_0 = arith.constant 0 : i32
    %c0_i32_1 = arith.constant 0 : i32
    return %arg0, %c0_i32, %c0_i32_0 : i32, i32, i32
  }
  func.func @transform_1(%arg0: i32) -> (i32, i32, i32) {
    %c0_i32 = arith.constant 0 : i32
    %c0_i32_0 = arith.constant 0 : i32
    %c0_i32_1 = arith.constant 0 : i32
    return %arg0, %c0_i32, %c0_i32_0 : i32, i32, i32
  }
  func.func @transform_2(%arg0: i32) -> (i32, i32, i32) {
    %c0_i32 = arith.constant 0 : i32
    %c0_i32_0 = arith.constant 0 : i32
    %c0_i32_1 = arith.constant 0 : i32
    return %arg0, %c0_i32, %c0_i32_0 : i32, i32, i32
  }
  func.func @transform_3(%arg0: i32) -> (i32, i32, i32) {
    %c0_i32 = arith.constant 0 : i32
    %c0_i32_0 = arith.constant 0 : i32
    %c0_i32_1 = arith.constant 0 : i32
    return %arg0, %c0_i32, %c0_i32_0 : i32, i32, i32
  }
  func.func @transform_4(%arg0: i32) -> (i32, i32, i32) {
    %c0_i32 = arith.constant 0 : i32
    %c0_i32_0 = arith.constant 0 : i32
    %c0_i32_1 = arith.constant 0 : i32
    return %arg0, %c0_i32, %c0_i32_0 : i32, i32, i32
  }
  func.func @transform_5(%arg0: i32) -> (i32, i32, i32) {
    %c0_i32 = arith.constant 0 : i32
    %c0_i32_0 = arith.constant 0 : i32
    %c0_i32_1 = arith.constant 0 : i32
    return %arg0, %c0_i32, %c0_i32_0 : i32, i32, i32
  }
  func.func @transform_6(%arg0: i32) -> (i32, i32, i32) {
    %c0_i32 = arith.constant 0 : i32
    %c0_i32_0 = arith.constant 0 : i32
    %c0_i32_1 = arith.constant 0 : i32
    return %arg0, %c0_i32, %c0_i32_0 : i32, i32, i32
  }
}

</mosaic_0001>

<sc_bundles>
// kernel: kernel.5.cloned.1.call-start
scs
__scs_entry_jumppad:
0x0: {  	(pc) =	sbr.rel $0x88, $3  }
0x1: {  	(tag) =	ssettag $0x0;
	lr =	simm.s32 $0x1  }
0x2: {  	[smem:$0x3F9D] =	sst lr;
	_ =	strace $0xD0000000  }
0x3: {  	_ = 	snop  }
0x4: {  	_ = 	snop  }
0x5: {  	_ = 	snop  }
0x6: {  	_ = 	snop  }
0x7: {  	_ = 	snop  }
__scs_overlays_trampoline_lowered:
0x8: {  	[smem:$0x3FAC] =	sst s0  }
0x9: {  	[smem:$0x3FAD] =	sst s1  }
0xa: {  	[smem:$0x3FAE] =	sst s2  }
0xb: {  	[smem:$0x3FAF] =	sst s3  }
0xc: {  	[smem:$0x3FB0] =	sst s4  }
0xd: {  	[smem:$0x3FB1] =	sst s5  }
0xe: {  	[smem:$0x3FB2] =	sst s6  }
0xf: {  	[smem:$0x3FB3] =	sst s7  }
0x10: {  	[smem:$0x3FB4] =	sst s8  }
0x11: {  	[smem:$0x3FB5] =	sst s9;
	s0 =	simm.s32 @!p0 $0x0  }
0x12: {  	s1 =	sld [smem:$0x3F9B];
	s0 =	simm.s32 @p0 $0x1  }
0x13: {  	[smem:$0x3FB6] =	sst s0;
	s0 =	simm.s32 @!p1 $0x0  }
0x14: {  	s2 =	sld [smem:$0x3F9A];
	s0 =	simm.s32 @p1 $0x1  }
0x15: {  	[smem:$0x3FB7] =	sst s0;
	s0 =	simm.s32 @!p2 $0x0  }
0x16: {  	s3 =	sld [smem:$0x3FDB];
	s0 =	simm.s32 @p2 $0x1  }
0x17: {  	s4 =	simm.s32 $0x1BF5;
	[smem:$0x3FB9] =	sst s0  }
0x18: {  	s0 =	sld [smem:$0x3F9C];
	_ =	swait.ge [sflag:s4], $0x0  }
0x19: {  	s7 =	sld [smem:$0x3F9D]  }
0x1a: {  	s8 =	sadd.s32 $0xFFFFE003, lr  }
0x1b: {  	s9 =	sadd.s32 $0xFFFFFEF7, lr;
	s5 =	simm.s32 $0xFFFFFFFF;
	p2 =	slt.u32 s8, $0xFFFFF086  }
0x1c: {  	p1 =	slt.u32 s9, $0xF7A;
	s5 =	simm.s32 @!p2 $0x0  }
0x1d: {  	s5 =	simm.s32 @p1 $0x1;
	p0 =	seq.s32 s7, s2  }
0x1e: {  	s7 =	smul.u32 @!p0 $0xF7A, s2;
	p2 =	seq.s32 @!p0 s5, $0x0  }
0x1f: {  	s9 =	smul.u32 $0xF7A, s1;
	s8 =	simm.s32 @!p0 $0x1BF5;
	p2 =	por !p2, p0  }
0x20: {  	[sflag:s8] =	ssyncset.s32 @!p0 $0xFFFFF086;
	s6 =	sadd.s32 @!p0 s3, s7;
	s7 =	simm.s32 @!p0 $0x108  }
0x21: {  	s3 =	sadd.s32 s3, s9;
	s6 =	sadd.s32 @!p0 $0x88, s6;
	s7 =	simm.s32 @p2 $0x1082  }
0x22: {  	[simem:s7], [sflag:s8] =	dma.local @!p0 [hbm:s6], $0xF7A  }
0x23: {  	s9 =	sor.u32 $0xD0000000, s2;
	s6 =	simm.s32 $0x108;
	_ =	swait.ge @!p0 [sflag:s8], $0x0  }
0x24: {  	s3 =	sadd.s32 $0x88, s3;
	s6 =	simm.s32 @!p1 $0x1082;
	[sflag:s4] =	ssyncset.s32 $0xFFFFF086  }
0x25: {  	[simem:s6], [sflag:s4] =	dma.local [hbm:s3], $0xF7A  }
0x26: {  	[smem:$0x3F9D] =	sst s1;
	(tag) =	ssettag s2;
	_ =	strace s9  }
0x27: {  	s1 =	sld [smem:$0x3FAD]  }
0x28: {  	s2 =	sld [smem:$0x3FAE]  }
0x29: {  	s4 =	sld [smem:$0x3FB0]  }
0x2a: {  	p0 =	seq.s32 s5, $0x0;
	s5 =	sld [smem:$0x3FB1]  }
0x2b: {  	s6 =	sld [smem:$0x3FB2]  }
0x2c: {  	s7 =	sld [smem:$0x3FB3]  }
0x2d: {  	s3 =	simm.s32 $0x108;
	s8 =	sld [smem:$0x3FB4]  }
0x2e: {  	s3 =	simm.s32 @!p0 $0x1082;
	s9 =	sld [smem:$0x3FB5]  }
0x2f: {  	lr =	sadd.s32 s0, s3;
	s0 =	sld [smem:$0x3FAC]  }
0x30: {  	s3 =	sld [smem:$0x3FAF]  }
0x31: {  	[smem:$0x3FB8] =	sst s10  }
0x32: {  	s10 =	sld [smem:$0x3FB6];
	_ =	sdelay $0x3  }
0x33: {  	p0 =	seq.s32 s10, $0x1;
	s10 =	sld [smem:$0x3FB8];
	_ =	sdelay $0x3  }
0x34: {  	[smem:$0x3FB8] =	sst s10  }
0x35: {  	s10 =	sld [smem:$0x3FB7];
	_ =	sdelay $0x3  }
0x36: {  	p1 =	seq.s32 s10, $0x1;
	s10 =	sld [smem:$0x3FB8];
	_ =	sdelay $0x3  }
0x37: {  	[smem:$0x3FB8] =	sst s10  }
0x38: {  	s10 =	sld [smem:$0x3FB9]  }
0x39: {  	_ = 	snop;
	(pc) =	sbr.ind lr, $3  }
0x3a: {  	_ = 	snop  }
0x3b: {  	_ = 	snop  }
0x3c: {  	p2 =	seq.s32 s10, $0x1;
	s10 =	sld [smem:$0x3FB8]  }
0x3d: {  	_ =	shalt  }
0x3e: {  	_ =	shalt  }
0x3f: {  	_ =	shalt  }
0x40: {  	_ =	shalt  }
0x41: {  	_ =	shalt  }
0x42: {  	_ =	shalt  }
0x43: {  	_ =	shalt  }
0x44: {  	_ =	shalt  }
0x45: {  	_ =	shalt  }
0x46: {  	_ =	shalt  }
0x47: {  	_ =	shalt  }
0x48: {  	_ =	shalt  }
0x49: {  	_ =	shalt  }
0x4a: {  	_ =	shalt  }
0x4b: {  	_ =	shalt  }
0x4c: {  	_ =	shalt  }
0x4d: {  	_ =	shalt  }
0x4e: {  	_ =	shalt  }
0x4f: {  	_ =	shalt  }
0x50: {  	_ =	shalt  }
0x51: {  	_ =	shalt  }
0x52: {  	_ =	shalt  }
0x53: {  	_ =	shalt  }
0x54: {  	_ =	shalt  }
0x55: {  	_ =	shalt  }
0x56: {  	_ =	shalt  }
0x57: {  	_ =	shalt  }
0x58: {  	_ =	shalt  }
0x59: {  	_ =	shalt  }
0x5a: {  	_ =	shalt  }
0x5b: {  	_ =	shalt  }
0x5c: {  	_ =	shalt  }
0x5d: {  	_ =	shalt  }
0x5e: {  	_ =	shalt  }
0x5f: {  	_ =	shalt  }
0x60: {  	_ =	shalt  }
0x61: {  	_ =	shalt  }
0x62: {  	_ =	shalt  }
0x63: {  	_ =	shalt  }
0x64: {  	_ =	shalt  }
0x65: {  	_ =	shalt  }
0x66: {  	_ =	shalt  }
0x67: {  	_ =	shalt  }
0x68: {  	_ =	shalt  }
0x69: {  	_ =	shalt  }
0x6a: {  	_ =	shalt  }
0x6b: {  	_ =	shalt  }
0x6c: {  	_ =	shalt  }
0x6d: {  	_ =	shalt  }
0x6e: {  	_ =	shalt  }
0x6f: {  	_ =	shalt  }
0x70: {  	_ =	shalt  }
0x71: {  	_ =	shalt  }
0x72: {  	_ =	shalt  }
0x73: {  	_ =	shalt  }
0x74: {  	_ =	shalt  }
0x75: {  	_ =	shalt  }
0x76: {  	_ =	shalt  }
0x77: {  	_ =	shalt  }
0x78: {  	_ =	shalt  }
0x79: {  	_ =	shalt  }
0x7a: {  	_ =	shalt  }
0x7b: {  	_ =	shalt  }
0x7c: {  	_ =	shalt  }
0x7d: {  	_ =	shalt  }
0x7e: {  	_ =	shalt  }
0x7f: {  	_ =	shalt  }
0x80: {  	_ =	shalt  }
0x81: {  	_ =	shalt  }
0x82: {  	_ =	shalt  }
0x83: {  	_ =	shalt  }
0x84: {  	_ =	shalt  }
0x85: {  	_ =	shalt  }
0x86: {  	_ =	shalt  }
0x87: {  	_ =	shalt  }
.Lfunc_end0:
.L_simem_size_0:
called_computation_lowered:
.L_overlay_start_0:
0x88: {  	s2 =	sld [smem:$0x3FD9]  }
0x89: {  	s3 =	sld [smem:$0x3FFE];
	_ =	sdelay $0x1  }
0x8a: {  	s1 =	srdreg.scid  }
0x8b: {  	s0 =	sand.u32 $0x1, s1  }
0x8c: {  	s14 =	sshll.u32 s0, $0xA;
	s2 =	sadd.s32 s3, s2  }
0x8d: {  	s2 =	sadd.s32 s2, s14  }
0x8e: {  	[smem:$0x3FC4] =	sst s2  }
0x8f: {  	_ = 	snop  }
0x90: {  	s2 =	sld [smem:$0x3FD0];
	_ =	sdelay $0x2  }
0x91: {  	s15 =	simm.s32 $0xA;
	s4 =	simm.s32 $0x10  }
0x92: {  	[smem:s4], [sflag:s15] =	dma.local [hbm:s2], $0x1  }
0x93: {  	_ =	swait.eq [sflag:s15], $0x1  }
0x94: {  	s16 =	sld [smem:$0x10];
	[sflag:s15] =	ssyncset.done $0x0  }
0x95: {  	s17 =	sld [smem:$0x11];
	[sflag:s15] =	ssyncadd.s32 $0xFFFFFFFF  }
0x96: {  	s18 =	sld [smem:$0x12];
	(tm) =	ssettm $0x1  }
0x97: {  	s5 =	sld [smem:$0x3FFB];
	_ =	sdelay $0x3  }
0x98: {  	_ =	strace s5  }
0x99: {  	s5 =	sld [smem:$0x3FFC];
	_ =	sdelay $0x3  }
0x9a: {  	_ =	strace s5  }
0x9b: {  	s5 =	sld [smem:$0x3FFD];
	_ =	sdelay $0x3  }
0x9c: {  	_ =	strace s5  }
0x9d: {  	_ =	strace $0x8FFFFFFF  }
0x9e: {  	s19 =	sld [smem:$0x3FDB];
	_ =	sdelay $0x1  }
0x9f: {  	s6 =	simm.s32 $_scs_section_size  }
0xa0: {  	s7 =	simm.s32 $_size__tile_overlayer_lowered;
	s8 =	simm.s32 $_tile_overlayer_lowered  }
0xa1: {  	s22 =	simm.s32 $0x1BFF;
	s21 =	sshll.u32 s8, $0x1;
	s5 =	sadd.s32 s6, s19  }
0xa2: {  	s9 =	simm.s32 $0x0;
	s20 =	sshll.u32 s7, $0x1;
	s7 =	sadd.s32 s21, s5  }
0xa3: {  	[timem:s9], [sflag:s22] =	dma.local [hbm:s7], s20  }
0xa4: {  	_ =	swait.ge [sflag:s22], s20  }
0xa5: {  	s6 =	ssub.s32 $0x0, s20;
	[sflag:s22] =	ssyncset.done $0x0  }
0xa6: {  	[sflag:s22] =	ssyncadd.s32 s6;
	_ =	sdelay $0x1  }
0xa7: {  	s23 =	simm.s32 $0x1B8B  }
0xa8: {  	_ =	swait.ge [sflag:s23], $0x1  }
0xa9: {  	[sflag:s23] =	ssyncset.done $0x0  }
0xaa: {  	s25 =	simm.s32 $0x1B8E;
	s24 =	sld [smem:$0x3FFE];
	[sflag:s23] =	ssyncadd.s32 $0xFFFFFFFF  }
0xab: {  	s26 =	simm.s32 $execute0_lowered;
	[smem:$0x3FD2] =	sst s25  }
0xac: {  	s7 =	sshll.u32 s26, $0x1;
	_ =	strace $0x80000046;
	[dreg:$0x1] =	wrdreg $0xFFFFFFFF  }
0xad: {  	s28 =	simm.s32 $_size_execute0_lowered;
	s5 =	sadd.s32 s5, s7;
	[dreg:$0x0] =	wrdreg $0x0  }
0xae: {  	s7 =	sshll.u32 s28, $0x1;
	[dreg:$0x2] =	wrdreg s5  }
0xaf: {  	[dreg:$0x3] =	wrdreg s7  }
0xb0: {  	[dreg:$0x4] =	wrdreg $0xC0  }
0xb1: {  	_ =	task [dreg:s9], $0x5FFFF  }
0xb2: {  	[dreg:$0x1] =	wrdreg $0xFFFFFFFF  }
0xb3: {  	[dreg:$0x0] =	wrdreg $0x60  }
0xb4: {  	[dreg:$0x2] =	wrdreg s24  }
0xb5: {  	[dreg:$0x3] =	wrdreg s17  }
0xb6: {  	[dreg:$0x4] =	wrdreg s16  }
0xb7: {  	[dreg:$0x5] =	wrdreg s18  }
0xb8: {  	[dreg:$0x6] =	wrdreg $0x9  }
0xb9: {  	_ =	task.clear_ibuf [dreg:s9], $0x7FFFF;
	_ =	strace $0x90000046  }
0xba: {  	s29 =	simm.s32 $0x9;
	_ =	strace $0x80000048  }
0xbb: {  	_ =	swait.ge [sflag:s29], $0x1  }
0xbc: {  	[sflag:s29] =	ssyncadd.s32 $0xFFFFFFFF  }
0xbd: {  	_ =	strace $0x90000048  }
0xbe: {  	_ =	sfence  }
0xbf: {  	s30 =	sld [smem:$0x0];
	_ =	sdelay $0x2  }
0xc0: {  	s31 =	sshll.u32 s1, $0xD;
	s1 =	sshrl.u32 s1, $0x2  }
0xc1: {  	s3 =	sand.u32 $0x4000, s31;
	s1 =	sadd.s32 s1, s30  }
0xc2: {  	s0 =	sor.u32 s3, s0;
	s1 =	sshll.u32 s1, $0x11  }
0xc3: {  	s0 =	sor.u32 s1, s0  }
0xc4: {  	s0 =	sadd.s32 $0x8F2B, s0  }
0xc5: {  	[sflag:s0] =	ssyncadd.remote.s32 $0x1  }
0xc6: {  	_ =	sfence.sel $0xFFFF  }
0xc7: {  	[dreg:$0x0] =	wrdreg $0xFFFFFFFF;
	(pc) =	sbr.abs _section_cstart, $3  }
0xc8: {  	[dreg:$0x1] =	wrdreg $0xFFFFFFFF  }
0xc9: {  	_ =	task.clear_ibuf [dreg:s9], $0x2FFFF;
	_ =	strace $0x9FFFFFFF  }
0xca: {  	(tm) =	ssettm $0x7FFFFFFF  }
0xcb: {  	_ =	shalt  }
tec
execute0_lowered:
.L_overlay_start_1:
0x0: {  	(tag) =	ssettag $0x1  }
0x1: {  	s3 =	rddreg [dreg:$0x0]  }
0x2: {  	s4 =	rddreg [dreg:$0x1]  }
0x3: {  	s5 =	rddreg [dreg:$0x2]  }
0x4: {  	s1 =	srdreg.scid;
	s0 =	stileid.u32  }
0x5: {  	s8 =	rddreg [dreg:$0x3];
	s14 =	simm.s32 $0xE480;
	s6 =	sshrl.u32 s0, $0x2  }
0x6: {  	s16 =	simm.s32 $0xE280;
	s17 =	simm.s32 $0x0;
	s7 =	smul.u32 $0x70800, s6  }
0x7: {  	s9 =	sand.u32 $0x1, s1;
	s29 =	sshll.u32 s0, $0x8;
	s11 =	smul.u32 $0xC00, s6  }
0x8: {  	s2 =	sshll.u32 s9, $0x7;
	s1 =	sand.u32 $0x300, s29;
	s31 =	smul.u32 $0x140, s9  }
0x9: {  	s30 =	ssub.s32 $0x2, s9;
	s6 =	sshll.u32 s6, $0xA;
	s9 =	smul.u32 $0x8CA0, s9  }
0xa: {  	s10 =	sor.u32 s2, s1;
	s1 =	rddreg [dreg:$0x4];
	s2 =	simm.s32 $0x0  }
0xb: {  	s13 =	sshrl.u32 s30, $0x1;
	s7 =	sor.u32 s7, s10;
	[smem:$0x7FF] =	sst s2  }
0xc: {  	s11 =	sor.u32 s11, s10;
	s6 =	sor.u32 s6, s10;
	s13 =	ssub.s32 s30, s13  }
0xd: {  	s15 =	sadd.s32 $0x11940, s31;
	s10 =	simm.s32 $0x80;
	s7 =	sshrl.u32 s7, $0x3  }
0xe: {  	_ =	strace $0x80000047;
	s11 =	sshrl.u32 s11, $0x3;
	s6 =	sshrl.u32 s6, $0x3  }
0xf: {  	v1 =	vmov s15;
	s15 =	simm.s32 $0xE100;
	s7 =	sadd.s32 s7, s3;
	s12 =	sadd.s32 s11, s3  }
0x10: {  	s4 =	sadd.s32 s4, s6;
	s5 =	sadd.s32 s5, s6;
	s6 =	sadd.s32 s8, s11  }
0x11: {  	v0 =	vlaneseq.u32;
	s8 =	smax.u32 s13, $0x1;
	s11 =	simm.s32 $0x400;
	s13 =	simm.s32 $0xE400  }
0x12: {  	v2 =	vor.u32 $0x80000000, v0;
	s3 =	sadd.s32 $0x1600, s7;
	s7 =	sadd.s32 $0x39A00, s12;
	s12 =	simm.s32 $0x1  }
.LBB2_1:
0x13: {  	[tilespmem:s2], [sflag:$0x1] =	stream.strided.gather [hbm4b:s3+s10], $0xE100, s11, s10, $0x38;
	[tilespmem:$0xE500] =	vst v63  }
0x14: {  	_ =	swait.ge [sflag:s12], $0xE100  }
0x15: {  	[sflag:s12] =	ssyncset.done $0x0  }
0x16: {  	[sflag:s12] =	ssyncadd.s32 $0xFFFF1F00  }
0x17: {  	[tilespmem:s13], [sflag:$0x1] =	stream.linear.gather [hbm4b:s4+s2], $0x80, $0x38;
	[tilespmem:$0xE500] =	vst v63  }
0x18: {  	_ =	swait.ge [sflag:s12], $0x80  }
0x19: {  	[sflag:s12] =	ssyncset.done $0x0  }
0x1a: {  	[sflag:s12] =	ssyncadd.s32 $0xFFFFFF80  }
0x1b: {  	[tilespmem:s14], [sflag:$0x1] =	stream.linear.gather [hbm4b:s5+s2], $0x80, $0x38;
	[tilespmem:$0xE500] =	vst v63  }
0x1c: {  	_ =	swait.ge [sflag:s12], $0x80  }
0x1d: {  	[sflag:s12] =	ssyncset.done $0x0  }
0x1e: {  	[sflag:s12] =	ssyncadd.s32 $0xFFFFFF80  }
0x1f: {  	v3 =	vld [tilespmem:$0xE400]  }
0x20: {  	s18 =	simm.s32 $0x20;
	v4 =	vld [tilespmem:$0xE480]  }
0x21: {  	v5 =	vld [tilespmem:s18+$0xFFFFFFE0];
	_ =	sdelay $0x2  }
0x22: {  	s19 =	sadd.s32 $0x0, s9  }
0x23: {  	v6 =	vor.u32 s19, v0  }
0x24: {  	vm0 =	veq.f32 v5, v3;
	vm1 =	vlt.s32 v6, v4  }
0x25: {  	vm2 =	vgt.f32 v5, v3;
	vm0 =	vmand vm1, vm0  }
0x26: {  	v7 =	vor.u32 s19, v2;
	vm0 =	vmor vm2, vm0  }
0x27: {  	v7 =	vnsel vm0, $0xFFFFFFFF, v7  }
0x28: {  	(xrf1) =	vsort.ascd.msk.u32 $0xffff, v7, v5  }
0x29: {  	(xrf1) =	vsort.ascd.msk.u32 $0xffff, v7, v6;
	_ =	sdelay $0xc  }
0x2a: {  	_, v5, _ =	vpop (xrf1)  }
0x2b: {  	[tilespmem:s2+$0xE100] =	vst v5;
	_, v5, _ =	vpop (xrf1)  }
0x2c: {  	[tilespmem:s2+$0xE280] =	vst v5  }
0x2d: {  	v5 =	vld [tilespmem:s18+$0xFFFFFFF0];
	_ =	sdelay $0x2  }
0x2e: {  	s20 =	sadd.s32 $0x10, s19  }
0x2f: {  	v6 =	vor.u32 s20, v0  }
0x30: {  	v7 =	vmpcnt.ones.xlane vm0;
	vm4 =	vlt.s32 v6, v4;
	vm5 =	veq.f32 v5, v3  }
0x31: {  	vm6 =	vgt.f32 v5, v3;
	vm0 =	vmand vm4, vm5  }
0x32: {  	(v2sf) =	vpush v7, $0x0;
	v7 =	vor.u32 s20, v2;
	vm0 =	vmor vm6, vm0  }
0x33: {  	v7 =	vnsel vm0, $0xFFFFFFFF, v7  }
0x34: {  	(xrf1) =	vsort.ascd.msk.u32 $0xffff, v7, v5  }
0x35: {  	(xrf1) =	vsort.ascd.msk.u32 $0xffff, v7, v6;
	_ =	sdelay $0xb  }
0x36: {  	s28 =	spop (v2sf)  }
0x37: {  	s20 =	sadd.s32 $0x0, s28;
	_, v5, _ =	vpop (xrf1)  }
0x38: {  	[tilespmem:s20+$0xE100] =	vst v5;
	_, v5, _ =	vpop (xrf1)  }
0x39: {  	[tilespmem:s20+$0xE280] =	vst v5  }
0x3a: {  	v5 =	vld [tilespmem:s18+$0x0];
	_ =	sdelay $0x2  }
0x3b: {  	s21 =	sadd.s32 $0x20, s19  }
0x3c: {  	v6 =	vor.u32 s21, v0  }
0x3d: {  	v7 =	vmpcnt.ones.xlane vm0;
	vm7 =	vlt.s32 v6, v4;
	vm8 =	veq.f32 v5, v3  }
0x3e: {  	vm9 =	vgt.f32 v5, v3;
	vm0 =	vmand vm7, vm8  }
0x3f: {  	(v2sf) =	vpush v7, $0x0;
	v7 =	vor.u32 s21, v2;
	vm0 =	vmor vm9, vm0  }
0x40: {  	v7 =	vnsel vm0, $0xFFFFFFFF, v7  }
0x41: {  	(xrf1) =	vsort.ascd.msk.u32 $0xffff, v7, v5  }
0x42: {  	(xrf1) =	vsort.ascd.msk.u32 $0xffff, v7, v6;
	_ =	sdelay $0xb  }
0x43: {  	s29 =	spop (v2sf)  }
0x44: {  	s20 =	sadd.s32 s20, s29;
	_, v5, _ =	vpop (xrf1)  }
0x45: {  	[tilespmem:s20+$0xE100] =	vst v5;
	_, v5, _ =	vpop (xrf1)  }
0x46: {  	[tilespmem:s20+$0xE280] =	vst v5  }
0x47: {  	v5 =	vld [tilespmem:s18+$0x10];
	_ =	sdelay $0x2  }
0x48: {  	s30 =	sadd.s32 $0x30, s19  }
0x49: {  	v6 =	vor.u32 s30, v0  }
0x4a: {  	v7 =	vmpcnt.ones.xlane vm0;
	vm10 =	vlt.s32 v6, v4;
	vm11 =	veq.f32 v5, v3  }
0x4b: {  	vm12 =	vgt.f32 v5, v3;
	vm0 =	vmand vm10, vm11  }
0x4c: {  	(v2sf) =	vpush v7, $0x0;
	v7 =	vor.u32 s30, v2;
	vm0 =	vmor vm12, vm0  }
0x4d: {  	v7 =	vnsel vm0, $0xFFFFFFFF, v7  }
0x4e: {  	(xrf1) =	vsort.ascd.msk.u32 $0xffff, v7, v5  }
0x4f: {  	(xrf1) =	vsort.ascd.msk.u32 $0xffff, v7, v6;
	_ =	sdelay $0x7  }
0x50: {  	v5 =	vmpcnt.ones.xlane vm0;
	_ =	sdelay $0x2  }
0x51: {  	(v2sf) =	vpush v5, $0x0  }
0x52: {  	s31 =	spop (v2sf)  }
0x53: {  	s21 =	sadd.s32 s20, s31;
	_, v5, _ =	vpop (xrf1)  }
0x54: {  	[tilespmem:s21+$0xE100] =	vst v5;
	_, v5, _ =	vpop (xrf1)  }
0x55: {  	[tilespmem:s21+$0xE280] =	vst v5  }
0x56: {  	v5 =	vld [tilespmem:s18+$0x20];
	_ =	sdelay $0x2  }
0x57: {  	s19 =	sadd.s32 $0x40, s19  }
0x58: {  	v6 =	vor.u32 s19, v0  }
0x59: {  	vm13 =	vlt.s32 v6, v4;
	vm14 =	veq.f32 v5, v3  }
0x5a: {  	vm15 =	vgt.f32 v5, v3;
	vm0 =	vmand vm13, vm14  }
0x5b: {  	v7 =	vor.u32 s19, v2;
	vm0 =	vmor vm15, vm0  }
0x5c: {  	v7 =	vnsel vm0, $0xFFFFFFFF, v7;
	v8 =	vmpcnt.ones.xlane vm0  }
0x5d: {  	(xrf1) =	vsort.ascd.msk.u32 $0xffff, v7, v6  }
0x5e: {  	s19 =	simm.s32 $0x50;
	s22 =	spop (v2sf);
	(xrf1) =	vsort.ascd.msk.u32 $0xffff, v7, v5;
	(v2sf) =	vpush v8, $0x0  }
.LBB2_2:
0x5f: {  	_ =	sdelay $0x9  }
0x60: {  	p0 =	seq.s32 s19, $0x8C50  }
0x61: {  	s18 =	sadd.s32 $0x80, s18;
	s20 =	smov.u32 s19;
	s19 =	sadd.s32 $0x50, s19  }
0x62: {  	s21 =	sadd.s32 s21, s22;
	_, v5, _ =	vpop (xrf1)  }
0x63: {  	[tilespmem:s21+$0xE280] =	vst v5;
	_, v5, _ =	vpop (xrf1)  }
0x64: {  	[tilespmem:s21+$0xE100] =	vst v5;
	s22 =	spop (v2sf)  }
0x65: {  	v5 =	vld [tilespmem:s18+$0xFFFFFFE0];
	s23 =	sadd.s32 s21, s22;
	_ =	sdelay $0x2  }
0x66: {  	s24 =	sadd.s32 s20, s9  }
0x67: {  	v6 =	vor.u32 s24, v0;
	s25 =	sadd.s32 $0x10, s24;
	s22 =	sadd.s32 $0x20, s24;
	s21 =	sadd.s32 $0x30, s24  }
0x68: {  	s20 =	sadd.s32 $0x40, s24;
	vm1 =	vlt.s32 v6, v4;
	vm0 =	veq.f32 v5, v3  }
0x69: {  	vm2 =	vgt.f32 v5, v3;
	vm0 =	vmand vm1, vm0  }
0x6a: {  	v7 =	vor.u32 s24, v2;
	vm0 =	vmor vm2, vm0  }
0x6b: {  	v7 =	vnsel vm0, $0xFFFFFFFF, v7;
	v8 =	vmpcnt.ones.xlane vm0  }
0x6c: {  	(xrf1) =	vsort.ascd.msk.u32 $0xffff, v7, v5  }
0x6d: {  	(xrf1) =	vsort.ascd.msk.u32 $0xffff, v7, v6;
	(v2sf) =	vpush v8, $0x0;
	_ =	sdelay $0xc  }
0x6e: {  	_, v5, _ =	vpop (xrf1)  }
0x6f: {  	[tilespmem:s23+$0xE100] =	vst v5;
	_, v5, _ =	vpop (xrf1)  }
0x70: {  	[tilespmem:s23+$0xE280] =	vst v5;
	s24 =	spop (v2sf)  }
0x71: {  	v5 =	vld [tilespmem:s18+$0xFFFFFFF0];
	_ =	sdelay $0x2  }
0x72: {  	v6 =	vor.u32 s25, v0  }
0x73: {  	vm0 =	vlt.s32 v6, v4  }
0x74: {  	vm1 =	vgt.f32 v5, v3;
	vm2 =	veq.f32 v5, v3  }
0x75: {  	v7 =	vor.u32 s25, v2;
	vm0 =	vmand vm0, vm2  }
0x76: {  	vm0 =	vmor vm1, vm0  }
0x77: {  	v7 =	vnsel vm0, $0xFFFFFFFF, v7;
	v8 =	vmpcnt.ones.xlane vm0  }
0x78: {  	(xrf1) =	vsort.ascd.msk.u32 $0xffff, v7, v5  }
0x79: {  	(xrf1) =	vsort.ascd.msk.u32 $0xffff, v7, v6;
	(v2sf) =	vpush v8, $0x0;
	_ =	sdelay $0xc  }
0x7a: {  	s23 =	sadd.s32 s23, s24;
	_, v5, _ =	vpop (xrf1)  }
0x7b: {  	[tilespmem:s23+$0xE100] =	vst v5;
	_, v5, _ =	vpop (xrf1)  }
0x7c: {  	[tilespmem:s23+$0xE280] =	vst v5;
	s24 =	spop (v2sf)  }
0x7d: {  	v5 =	vld [tilespmem:s18+$0x0];
	_ =	sdelay $0x1  }
0x7e: {  	v6 =	vor.u32 s22, v0  }
0x7f: {  	vm0 =	vlt.s32 v6, v4;
	_ =	sdelay $0x1  }
0x80: {  	v7 =	vor.u32 s22, v2;
	vm1 =	vgt.f32 v5, v3;
	vm2 =	veq.f32 v5, v3  }
0x81: {  	vm0 =	vmand vm0, vm2  }
0x82: {  	vm0 =	vmor vm1, vm0  }
0x83: {  	v7 =	vnsel vm0, $0xFFFFFFFF, v7;
	v8 =	vmpcnt.ones.xlane vm0  }
0x84: {  	(xrf1) =	vsort.ascd.msk.u32 $0xffff, v7, v5  }
0x85: {  	(xrf1) =	vsort.ascd.msk.u32 $0xffff, v7, v6;
	(v2sf) =	vpush v8, $0x0;
	_ =	sdelay $0xc  }
0x86: {  	s22 =	sadd.s32 s23, s24;
	_, v5, _ =	vpop (xrf1)  }
0x87: {  	[tilespmem:s22+$0xE100] =	vst v5;
	_, v5, _ =	vpop (xrf1)  }
0x88: {  	[tilespmem:s22+$0xE280] =	vst v5;
	s23 =	spop (v2sf)  }
0x89: {  	v5 =	vld [tilespmem:s18+$0x10]  }
0x8a: {  	v6 =	vor.u32 s21, v0  }
0x8b: {  	vm0 =	vlt.s32 v6, v4;
	_ =	sdelay $0x1  }
0x8c: {  	v7 =	vor.u32 s21, v2  }
0x8d: {  	vm1 =	vgt.f32 v5, v3;
	vm2 =	veq.f32 v5, v3  }
0x8e: {  	vm0 =	vmand vm0, vm2  }
0x8f: {  	vm0 =	vmor vm1, vm0  }
0x90: {  	v7 =	vnsel vm0, $0xFFFFFFFF, v7;
	v8 =	vmpcnt.ones.xlane vm0  }
0x91: {  	(xrf1) =	vsort.ascd.msk.u32 $0xffff, v7, v5  }
0x92: {  	(xrf1) =	vsort.ascd.msk.u32 $0xffff, v7, v6;
	(v2sf) =	vpush v8, $0x0;
	_ =	sdelay $0xc  }
0x93: {  	s21 =	sadd.s32 s22, s23;
	_, v5, _ =	vpop (xrf1)  }
0x94: {  	[tilespmem:s21+$0xE100] =	vst v5;
	_, v5, _ =	vpop (xrf1)  }
0x95: {  	[tilespmem:s21+$0xE280] =	vst v5;
	s22 =	spop (v2sf)  }
0x96: {  	v6 =	vor.u32 s20, v0;
	v5 =	vld [tilespmem:s18+$0x20]  }
0x97: {  	vm0 =	vlt.s32 v6, v4;
	_ =	sdelay $0x3  }
0x98: {  	v7 =	vor.u32 s20, v2;
	vm1 =	vgt.f32 v5, v3;
	vm2 =	veq.f32 v5, v3  }
.Ltmp0:
0x99: {  	vm0 =	vmand vm0, vm2;
	(pc) =	sbr.rel @!p0 .LBB2_2-.Ltmp0, $4  }
0x9a: {  	vm0 =	vmor vm1, vm0  }
0x9b: {  	v7 =	vnsel vm0, $0xFFFFFFFF, v7;
	v8 =	vmpcnt.ones.xlane vm0  }
0x9c: {  	(xrf1) =	vsort.ascd.msk.u32 $0xffff, v7, v6  }
0x9d: {  	(xrf1) =	vsort.ascd.msk.u32 $0xffff, v7, v5;
	(v2sf) =	vpush v8, $0x0  }
0x9e: {  	_ =	sdelay $0xc  }
0x9f: {  	s18 =	sadd.s32 s21, s22;
	_, v3, _ =	vpop (xrf1)  }
0xa0: {  	[tilespmem:s18+$0xE280] =	vst v3;
	_, v3, _ =	vpop (xrf1);
	s19 =	spop (v2sf)  }
0xa1: {  	[tilespmem:s18+$0xE100] =	vst v3;
	s18 =	sadd.s32 s18, s19;
	s19 =	simm.s32 $0xE100  }
0xa2: {  	v3 =	vmov s18;
	s18 =	simm.s32 $0xE280;
	v5 =	vld [tilespmem:s19+$0x0]  }
0xa3: {  	s20 =	simm.s32 $0x0;
	s21 =	simm.s32 $0x10;
	v4 =	vld [tilespmem:s18+$0x0]  }
.LBB2_4:
0xa4: {  	p0 =	sne.s32 s21, $0x130  }
0xa5: {  	v6 =	vor.u32 s20, v0;
	s20 =	smov.u32 s21  }
0xa6: {  	vm0 =	vlt.s32 v6, v3  }
.Ltmp1:
0xa7: {  	v6 =	vadd.s32 v1, v6;
	v5 =	vnsel vm0, $0xBF800000, v5;
	(pc) =	sbr.rel @p0 .LBB2_4-.Ltmp1, $4  }
0xa8: {  	[tilespmem:s19+$0x0] =	vst v5;
	v4 =	vsel vm0, v4, v6  }
0xa9: {  	s19 =	sadd.s32 $0x10, s19;
	[tilespmem:s18+$0x0] =	vst v4  }
0xaa: {  	s18 =	sadd.s32 $0x10, s18;
	v5 =	vld [tilespmem:s19+$0x0]  }
0xab: {  	s21 =	sadd.s32 $0x10, s21;
	v4 =	vld [tilespmem:s18+$0x0]  }
0xac: {  	_ = 	snop  }
0xad: {  	v6 =	vor.u32 s20, v0  }
0xae: {  	vm0 =	vlt.s32 v6, v3  }
0xaf: {  	v63 =	vadd.s32 v1, v6;
	v3 =	vnsel vm0, $0xBF800000, v5  }
0xb0: {  	[tilespmem:s19+$0x0] =	vst v3;
	v3 =	vsel vm0, v4, v63  }
0xb1: {  	[tilespmem:s18+$0x0] =	vst v3  }
0xb2: {  	[hbm4b:s6+s10] =	stream.strided.scatter [tilespmem:s15], [sflag:$0x1], $0x180, s11, s10, $0x38;
	[tilespmem:$0xE500] =	vst v63  }
0xb3: {  	s17 =	sadd.s32 $0x1, s17;
	_ =	swait.ge [sflag:s12], $0x180  }
0xb4: {  	p0 =	sne.s32 s17, s8;
	[sflag:s12] =	ssyncset.done $0x0  }
.Ltmp2:
0xb5: {  	[sflag:s12] =	ssyncadd.s32 $0xFFFFFE80;
	(pc) =	sbr.rel @p0 .LBB2_1-.Ltmp2, $4  }
0xb6: {  	[hbm4b:s7+s10] =	stream.strided.scatter [tilespmem:s16], [sflag:$0x1], $0x180, s11, s10, $0x38;
	[tilespmem:$0xE500] =	vst v63  }
0xb7: {  	_ =	swait.ge [sflag:s12], $0x180  }
0xb8: {  	[sflag:s12] =	ssyncset.done $0x0  }
0xb9: {  	[sflag:s12] =	ssyncadd.s32 $0xFFFFFE80  }
0xba: {  	_ =	sfence.sel $0x180000  }
0xbb: {  	[bflag:$0x0] =	sbarrier.arrive $0xFFFF  }
0xbc: {  	p0 =	sne.s32 s0, $0x0;
	_ =	strace $0x90000047  }
0xbd: {  	s0 =	sadd.s32 @!p0 $0x100000, s1;
	[bflag:$0x2] =	sbarrier.arrive $0xFFFF  }
0xbe: {  	[sflag:s0] =	ssyncadd.tile.s32 @!p0 $0x1;
	_ =	shalt  }
.Lfunc_end2:
_tile_overlayer_lowered:
.L_overlay_start_2:
0xbf: {  	(tag) =	ssettag $0x2  }
0xc0: {  	s0 =	rddreg [dreg:$0x0];
	s2 =	stileid.u32  }
0xc1: {  	s1 =	rddreg [dreg:$0x1];
	p0 =	sne.s32 s2, $0x0  }
0xc2: {  	s3 =	rddreg [dreg:$0x2];
	[bflag:$0x3] =	sbarrier.arrive $0xFFFF;
	s2 =	simm.s32 @!p0 $0x1C01  }
0xc3: {  	[timem:s3], [sflag:s2] =	dma.local @!p0 [hbm:s0], s1  }
0xc4: {  	s0 =	simm.s32 @!p0 $0x1  }
0xc5: {  	_ =	swait.ge @!p0 [sflag:s0], s1  }
0xc6: {  	s1 =	ssub.s32 @!p0 $0x0, s1;
	[sflag:s0] =	ssyncset.done @!p0 $0x0  }
0xc7: {  	[sflag:s0] =	ssyncadd.s32 @!p0 s1  }
0xc8: {  	[bflag:$0x3] =	sbarrier.arrive $0xFFFF  }
0xc9: {  	_ =	shalt  }

</sc_bundles>
